<compile_context>
chip_gen: v7x
topology: tpu7x:2x2x1
jax: 0.10.2.dev20260603
libtpu: 0.0.44.dev20260713+nightly
codegen_flags: <defaults>
</compile_context>

<pallas_src>
import functools

import jax
import jax.numpy as jnp
from jax import lax
from jax.experimental import pallas as pl
from jax.experimental.pallas import tpu as pltpu
from jax.experimental.pallas import tpu_sc as plsc

B = 4096
F = 26
V = 1000
D = 128
H1, H2, H3 = 1024, 512, 256
WIDE = 1024
DEEP_DIM = F * D

NC, NS = 2, 16
NW = NC * NS
GW = 128

BT = 512
SLICES = 2


def _gather_sc(table, idx, rw):
    fpc = GW // rw
    ng = F * rw // GW
    mesh = plsc.VectorSubcoreMesh(
        core_axis_name="c", subcore_axis_name="s",
        num_cores=NC, num_subcores=NS)

    @functools.partial(
        pl.kernel,
        out_type=jax.ShapeDtypeStruct((NW * rw, DEEP_DIM), jnp.float32),
        mesh=mesh,
        scratch_types=[
            pltpu.VMEM((ng, GW), jnp.int32),
            pltpu.VMEM((GW, D), jnp.float32),
            pltpu.VMEM((GW, D), jnp.float32),
            pltpu.SemaphoreType.DMA,
            pltpu.SemaphoreType.DMA,
            pltpu.SemaphoreType.DMA,
            pltpu.SemaphoreType.DMA,
        ],
    )
    def k(table_hbm, idx_hbm, out_hbm, idx_v, buf_a, buf_b, sga, sgb, ssa, ssb):
        wid = lax.axis_index("s") * NC + lax.axis_index("c")
        row0 = pl.multiple_of(wid * rw, rw)
        pltpu.sync_copy(idx_hbm.at[wid], idx_v)

        def g_start(c, buf, sem):
            pltpu.make_async_copy(table_hbm.at[idx_v.at[c]], buf, sem).start()

        def g_wait(c, buf, sem):
            pltpu.make_async_copy(table_hbm.at[idx_v.at[c]], buf, sem).wait()

        def s_copies(c, buf, sem):
            copies = []
            for j in range(fpc):
                col = pl.multiple_of((c * fpc + j) * D, D)
                copies.append(pltpu.make_async_copy(
                    buf.at[pl.ds(j * rw, rw)],
                    out_hbm.at[pl.ds(row0, rw), pl.ds(col, D)], sem))
            return copies

        def s_start(c, buf, sem):
            for cp in s_copies(c, buf, sem):
                cp.start()

        def s_wait(c, buf, sem):
            for cp in s_copies(c, buf, sem):
                cp.wait()

        g_start(0, buf_a, sga)
        g_start(1, buf_b, sgb)

        def body(i, carry):
            c0 = 2 * i
            c1 = 2 * i + 1
            g_wait(c0, buf_a, sga)
            s_start(c0, buf_a, ssa)

            @pl.when(c1 < ng)
            def _():
                g_wait(c1, buf_b, sgb)
                s_start(c1, buf_b, ssb)

            s_wait(c0, buf_a, ssa)

            @pl.when(c0 + 2 < ng)
            def _():
                g_start(c0 + 2, buf_a, sga)

            @pl.when(c1 < ng)
            def _():
                s_wait(c1, buf_b, ssb)

                @pl.when(c1 + 2 < ng)
                def _():
                    g_start(c1 + 2, buf_b, sgb)

            return carry

        lax.fori_loop(0, (ng + 1) // 2, body, 0)

    return k(table, idx)


def _mlp_body(xw_ref, emb_ref, w1_ref, b1_ref, w2_ref, b2_ref, w3_ref,
              b3_ref, wfcw_ref, wfcd_ref, bfc_ref, out_ref):
    h = jnp.dot(emb_ref[...].astype(jnp.bfloat16), w1_ref[...],
                preferred_element_type=jnp.float32)
    h = jnp.maximum(h + b1_ref[...], 0.0).astype(jnp.bfloat16)
    h = jnp.dot(h, w2_ref[...], preferred_element_type=jnp.float32)
    h = jnp.maximum(h + b2_ref[...], 0.0).astype(jnp.bfloat16)
    h = jnp.dot(h, w3_ref[...], preferred_element_type=jnp.float32)
    h = jnp.maximum(h + b3_ref[...], 0.0)
    out = jnp.dot(xw_ref[...], wfcw_ref[...], preferred_element_type=jnp.float32)
    out = out + jnp.dot(h, wfcd_ref[...], preferred_element_type=jnp.float32)
    out_ref[...] = out + bfc_ref[...]


def _mlp_tc(xw, emb, w1, b1, w2, b2, w3, b3, wfcw, wfcd, bfc, off_bt):
    bs = emb.shape[0]
    grid = (bs // BT,)
    return pl.pallas_call(
        _mlp_body,
        grid=grid,
        in_specs=[
            pl.BlockSpec((BT, WIDE), lambda i: (i + off_bt, 0)),
            pl.BlockSpec((BT, DEEP_DIM), lambda i: (i, 0)),
            pl.BlockSpec((DEEP_DIM, H1), lambda i: (0, 0)),
            pl.BlockSpec((1, H1), lambda i: (0, 0)),
            pl.BlockSpec((H1, H2), lambda i: (0, 0)),
            pl.BlockSpec((1, H2), lambda i: (0, 0)),
            pl.BlockSpec((H2, H3), lambda i: (0, 0)),
            pl.BlockSpec((1, H3), lambda i: (0, 0)),
            pl.BlockSpec((WIDE, 1), lambda i: (0, 0)),
            pl.BlockSpec((H3, 1), lambda i: (0, 0)),
            pl.BlockSpec((1, 1), lambda i: (0, 0)),
        ],
        out_specs=pl.BlockSpec((BT, 1), lambda i: (i, 0)),
        out_shape=jax.ShapeDtypeStruct((bs, 1), jnp.float32),
    )(xw, emb, w1, b1, w2, b2, w3, b3, wfcw, wfcd, bfc)


def kernel(X_w, X_d, emb_tables, W1, b1, W2, b2, W3, b3, Wfc, bfc):
    table = emb_tables.reshape(F * V, D)
    bs = B // SLICES
    rw = bs // NW
    ng = F * rw // GW
    idx = X_d.astype(jnp.int32).reshape(SLICES, NW, rw, F).transpose(0, 1, 3, 2)
    idx = idx + (jnp.arange(F, dtype=jnp.int32) * V)[None, None, :, None]
    idx = idx.reshape(SLICES, NW, ng, GW)
    w1 = W1.astype(jnp.bfloat16)
    w2 = W2.astype(jnp.bfloat16)
    w3 = W3.astype(jnp.bfloat16)
    outs = []
    for s in range(SLICES):
        emb = _gather_sc(table, idx[s], rw)
        outs.append(_mlp_tc(
            X_w, emb,
            w1, b1.reshape(1, H1),
            w2, b2.reshape(1, H2),
            w3, b3.reshape(1, H3),
            Wfc[:WIDE], Wfc[WIDE:], bfc.reshape(1, 1),
            s * (bs // BT),
        ))
    return jnp.concatenate(outs, axis=0) if SLICES > 1 else outs[0]

# --- scband reference (transcript-rebuilt; emitter-appended) ---
"""Pipeline reference for scband-wide-and-deep-46145128628662 (READ-ONLY COPY).

The authoritative reference and input builder live on the scoring server;
editing this copy changes nothing except your own understanding.
"""

import jax, jax.numpy as jnp
import numpy as np

B = 4096
F = 26
V = 1000
D = 128
H = [1024, 512, 256]
WIDE = 1024
DEEP_DIM = F * D


def setup_inputs(seed: int = 0) -> dict:
    key = jax.random.key(seed)
    ks = jax.random.split(key, 12)
    X_w = jax.random.normal(ks[0], (B, WIDE), dtype=jnp.float32)
    X_d = jax.random.randint(ks[1], (B, F), 0, V, dtype=jnp.int64)
    emb_tables = jax.random.normal(ks[2], (F, V, D), dtype=jnp.float32) * 0.01
    W1 = jax.random.normal(ks[3], (DEEP_DIM, H[0]), dtype=jnp.float32) * (1.0 / np.sqrt(DEEP_DIM))
    b1 = jnp.zeros((H[0],), dtype=jnp.float32)
    W2 = jax.random.normal(ks[4], (H[0], H[1]), dtype=jnp.float32) * (1.0 / np.sqrt(H[0]))
    b2 = jnp.zeros((H[1],), dtype=jnp.float32)
    W3 = jax.random.normal(ks[5], (H[1], H[2]), dtype=jnp.float32) * (1.0 / np.sqrt(H[1]))
    b3 = jnp.zeros((H[2],), dtype=jnp.float32)
    Wfc = jax.random.normal(ks[6], (WIDE + H[2], 1), dtype=jnp.float32) * (1.0 / np.sqrt(WIDE + H[2]))
    bfc = jnp.zeros((1,), dtype=jnp.float32)
    return {"X_w": X_w, "X_d": X_d, "emb_tables": emb_tables,
            "W1": W1, "b1": b1, "W2": W2, "b2": b2, "W3": W3, "b3": b3,
            "Wfc": Wfc, "bfc": bfc}


def reference(X_w, X_d, emb_tables, W1, b1, W2, b2, W3, b3, Wfc, bfc):
    # Embedding lookup per sparse field, concatenated along feature dim
    # emb_tables: [F, V, D], X_d: [B, F] -> emb: [B, F, D]
    emb = emb_tables[jnp.arange(F)[None, :], X_d]
    deep_out = emb.reshape(X_d.shape[0], F * D)
    deep_out = jax.nn.relu(deep_out @ W1 + b1)
    deep_out = jax.nn.relu(deep_out @ W2 + b2)
    deep_out = jax.nn.relu(deep_out @ W3 + b3)
    # Dropout is identity in eval mode
    fc_input = jnp.concatenate([X_w, deep_out], axis=-1)
    out = fc_input @ Wfc + bfc
    return out

if __name__ == "__main__":
    import jax
    _d = setup_inputs()
    print(jax.jit(kernel)(*tuple(_d.values())))

</pallas_src>

<mosaic_0001>
#map = affine_map<(d0, d1) -> (0, 0)>
#map1 = affine_map<(d0, d1) -> (0, 0, 0)>
module attributes {stable_mosaic.version = 14 : i64} {
  func.func @k(%arg0: i32, %arg1: i32, %arg2: memref<26000x128xf32, #tpu.memory_space<hbm>>, %arg3: memref<32x13x128xi32, #tpu.memory_space<hbm>>, %arg4: memref<2048x3328xf32, #tpu.memory_space<hbm>>, %arg5: memref<13x128xi32, #tpu.memory_space<vmem>>, %arg6: memref<128x128xf32, #tpu.memory_space<vmem>>, %arg7: memref<128x128xf32, #tpu.memory_space<vmem>>, %arg8: memref<!tpu.dma_semaphore, #tpu.memory_space<semaphore_mem>>, %arg9: memref<!tpu.dma_semaphore, #tpu.memory_space<semaphore_mem>>, %arg10: memref<!tpu.dma_semaphore, #tpu.memory_space<semaphore_mem>>, %arg11: memref<!tpu.dma_semaphore, #tpu.memory_space<semaphore_mem>>) attributes {dimension_semantics = [#tpu.dimension_semantics<core_parallel>, #tpu.dimension_semantics<subcore_parallel>], iteration_bounds = array<i64: 2, 16>, scalar_prefetch = 0 : i64, scratch_operands = 7 : i64, tpu.core_type = #tpu.core_type<sc_vector_subcore>, window_params = [{transform_indices = #map}, {transform_indices = #map1}, {transform_indices = #map}]} {
    %mul3A = arith.constant 2 : i32
    %mul3A_0 = arith.muli %arg1, %mul3A : i32
    %add3A = arith.addi %mul3A_0, %arg0 : i32
    %mul3A_1 = arith.constant 64 : i32
    %mul3A_2 = arith.muli %add3A, %mul3A_1 : i32
    %multiple_of3A = tpu.assume_multiple %mul3A_2, 64 : i32
    "tpu.region"() ({
      %run_scoped3A = tpu.sem_alloc : memref<!tpu.dma_semaphore, #tpu.memory_space<semaphore_mem>>
      %dma_start3A_21 = arith.constant 0 : i32
      %dma_start3A_22 = arith.constant 0 : i32
      %dma_start3A_23 = tpu.memref_slice %arg3[%add3A, %dma_start3A_21, %dma_start3A_22] : memref<32x13x128xi32, #tpu.memory_space<hbm>> -> memref<1x13x128xi32, #tpu.memory_space<hbm>>
      %dma_start3A_24 = tpu.memref_squeeze %dma_start3A_23 : memref<1x13x128xi32, #tpu.memory_space<hbm>> -> memref<13x128xi32, #tpu.memory_space<hbm>>
      %dma_start3A_25 = arith.constant 0 : i32
      %dma_start3A_26 = arith.constant 0 : i32
      %dma_start3A_27 = tpu.memref_slice %arg3[%add3A, %dma_start3A_25, %dma_start3A_26] : memref<32x13x128xi32, #tpu.memory_space<hbm>> -> memref<1x13x128xi32, #tpu.memory_space<hbm>>
      %dma_start3A_28 = tpu.memref_squeeze %dma_start3A_27 : memref<1x13x128xi32, #tpu.memory_space<hbm>> -> memref<13x128xi32, #tpu.memory_space<hbm>>
      tpu.enqueue_dma source(%dma_start3A_28 : memref<13x128xi32, #tpu.memory_space<hbm>>) target(%arg5 : memref<13x128xi32, #tpu.memory_space<vmem>>) target_semaphore(%run_scoped3A : memref<!tpu.dma_semaphore, #tpu.memory_space<semaphore_mem>>)
      %dma_wait3A = arith.constant 0 : i32
      %dma_wait3A_29 = arith.constant 0 : i32
      %dma_wait3A_30 = tpu.memref_slice %arg3[%add3A, %dma_wait3A, %dma_wait3A_29] : memref<32x13x128xi32, #tpu.memory_space<hbm>> -> memref<1x13x128xi32, #tpu.memory_space<hbm>>
      %dma_wait3A_31 = tpu.memref_squeeze %dma_wait3A_30 : memref<1x13x128xi32, #tpu.memory_space<hbm>> -> memref<13x128xi32, #tpu.memory_space<hbm>>
      %dma_wait3A_32 = arith.constant 0 : i32
      %dma_wait3A_33 = arith.constant 0 : i32
      %dma_wait3A_34 = tpu.memref_slice %arg3[%add3A, %dma_wait3A_32, %dma_wait3A_33] : memref<32x13x128xi32, #tpu.memory_space<hbm>> -> memref<1x13x128xi32, #tpu.memory_space<hbm>>
      %dma_wait3A_35 = tpu.memref_squeeze %dma_wait3A_34 : memref<1x13x128xi32, #tpu.memory_space<hbm>> -> memref<13x128xi32, #tpu.memory_space<hbm>>
      tpu.wait_dma2 semaphore(%run_scoped3A : memref<!tpu.dma_semaphore, #tpu.memory_space<semaphore_mem>>) src(%dma_wait3A_35 : memref<13x128xi32, #tpu.memory_space<hbm>>) dst(%arg5 : memref<13x128xi32, #tpu.memory_space<vmem>>)
      tpu.yield
    }) : () -> ()
    %dma_start3A = arith.constant 0 : i32
    %dma_start3A_3 = arith.constant 0 : i32
    %dma_start3A_4 = tpu.memref_slice %arg5[%dma_start3A, %dma_start3A_3] : memref<13x128xi32, #tpu.memory_space<vmem>> -> memref<1x128xi32, #tpu.memory_space<vmem>>
    %dma_start3A_5 = tpu.memref_squeeze %dma_start3A_4 : memref<1x128xi32, #tpu.memory_space<vmem>> -> memref<128xi32, #tpu.memory_space<vmem>>
    %dma_start3A_6 = arith.constant 0 : i32
    %dma_start3A_7 = arith.constant 0 : i32
    %dma_start3A_8 = tpu.memref_slice %arg2[%dma_start3A_6, %dma_start3A_7] : memref<26000x128xf32, #tpu.memory_space<hbm>> -> memref<26000x128xf32, #tpu.memory_space<hbm>>
    tpu.enqueue_indirect_dma source(%dma_start3A_8 : memref<26000x128xf32, #tpu.memory_space<hbm>>) target(%arg6 : memref<128x128xf32, #tpu.memory_space<vmem>>) offsets(%dma_start3A_5 : memref<128xi32, #tpu.memory_space<vmem>>) semaphore(%arg8 : memref<!tpu.dma_semaphore, #tpu.memory_space<semaphore_mem>>)
    %dma_start3A_9 = arith.constant 1 : i32
    %dma_start3A_10 = arith.constant 0 : i32
    %dma_start3A_11 = tpu.memref_slice %arg5[%dma_start3A_9, %dma_start3A_10] : memref<13x128xi32, #tpu.memory_space<vmem>> -> memref<1x128xi32, #tpu.memory_space<vmem>>
    %dma_start3A_12 = tpu.memref_squeeze %dma_start3A_11 : memref<1x128xi32, #tpu.memory_space<vmem>> -> memref<128xi32, #tpu.memory_space<vmem>>
    %dma_start3A_13 = arith.constant 0 : i32
    %dma_start3A_14 = arith.constant 0 : i32
    %dma_start3A_15 = tpu.memref_slice %arg2[%dma_start3A_13, %dma_start3A_14] : memref<26000x128xf32, #tpu.memory_space<hbm>> -> memref<26000x128xf32, #tpu.memory_space<hbm>>
    tpu.enqueue_indirect_dma source(%dma_start3A_15 : memref<26000x128xf32, #tpu.memory_space<hbm>>) target(%arg7 : memref<128x128xf32, #tpu.memory_space<vmem>>) offsets(%dma_start3A_12 : memref<128xi32, #tpu.memory_space<vmem>>) semaphore(%arg9 : memref<!tpu.dma_semaphore, #tpu.memory_space<semaphore_mem>>)
    %scan3A = arith.constant 0 : i32
    %scan3A_16 = arith.constant 0 : i32
    %scan3A_17 = arith.constant 7 : i32
    %scan3A_18 = arith.addi %scan3A_16, %scan3A_17 : i32
    %scan3A_19 = arith.constant 1 : i32
    scf.for %scan3A_21 = %scan3A_16 to %scan3A_18 step %scan3A_19  : i32 {
      %mul3A_22 = arith.constant 2 : i32
      %mul3A_23 = arith.muli %mul3A_22, %scan3A_21 : i32
      %mul3A_24 = arith.constant 2 : i32
      %mul3A_25 = arith.muli %mul3A_24, %scan3A_21 : i32
      %add3A_26 = arith.constant 1 : i32
      %add3A_27 = arith.addi %mul3A_25, %add3A_26 : i32
      %dma_wait3A = arith.constant 0 : i32
      %dma_wait3A_28 = tpu.memref_slice %arg5[%mul3A_23, %dma_wait3A] : memref<13x128xi32, #tpu.memory_space<vmem>> -> memref<1x128xi32, #tpu.memory_space<vmem>>
      %dma_wait3A_29 = tpu.memref_squeeze %dma_wait3A_28 : memref<1x128xi32, #tpu.memory_space<vmem>> -> memref<128xi32, #tpu.memory_space<vmem>>
      %dma_wait3A_30 = arith.constant 0 : i32
      %dma_wait3A_31 = arith.constant 0 : i32
      %dma_wait3A_32 = tpu.memref_slice %arg2[%dma_wait3A_30, %dma_wait3A_31] : memref<26000x128xf32, #tpu.memory_space<hbm>> -> memref<26000x128xf32, #tpu.memory_space<hbm>>
      tpu.wait_indirect_dma semaphore(%arg8 : memref<!tpu.dma_semaphore, #tpu.memory_space<semaphore_mem>>) src(%dma_wait3A_32 : memref<26000x128xf32, #tpu.memory_space<hbm>>) dst(%arg6 : memref<128x128xf32, #tpu.memory_space<vmem>>)
      %mul3A_33 = arith.constant 2 : i32
      %mul3A_34 = arith.muli %mul3A_23, %mul3A_33 : i32
      %add3A_35 = arith.constant 0 : i32
      %add3A_36 = arith.addi %mul3A_34, %add3A_35 : i32
      %mul3A_37 = arith.constant 128 : i32
      %mul3A_38 = arith.muli %add3A_36, %mul3A_37 : i32
      %multiple_of3A_39 = tpu.assume_multiple %mul3A_38, 128 : i32
      %mul3A_40 = arith.constant 2 : i32
      %mul3A_41 = arith.muli %mul3A_23, %mul3A_40 : i32
      %add3A_42 = arith.constant 1 : i32
      %add3A_43 = arith.addi %mul3A_41, %add3A_42 : i32
      %mul3A_44 = arith.constant 128 : i32
      %mul3A_45 = arith.muli %add3A_43, %mul3A_44 : i32
      %multiple_of3A_46 = tpu.assume_multiple %mul3A_45, 128 : i32
      %dma_start3A_47 = arith.constant 0 : i32
      %dma_start3A_48 = arith.constant 0 : i32
      %dma_start3A_49 = tpu.memref_slice %arg6[%dma_start3A_47, %dma_start3A_48] : memref<128x128xf32, #tpu.memory_space<vmem>> -> memref<64x128xf32, #tpu.memory_space<vmem>>
      %dma_start3A_50 = tpu.memref_slice %arg4[%multiple_of3A, %multiple_of3A_39] : memref<2048x3328xf32, #tpu.memory_space<hbm>> -> memref<64x128xf32, #tpu.memory_space<hbm>>
      %dma_start3A_51 = tpu.memref_slice %arg4[%multiple_of3A, %multiple_of3A_39] : memref<2048x3328xf32, #tpu.memory_space<hbm>> -> memref<64x128xf32, #tpu.memory_space<hbm>>
      %dma_start3A_52 = arith.constant 0 : i32
      %dma_start3A_53 = arith.constant 0 : i32
      %dma_start3A_54 = tpu.memref_slice %arg6[%dma_start3A_52, %dma_start3A_53] : memref<128x128xf32, #tpu.memory_space<vmem>> -> memref<64x128xf32, #tpu.memory_space<vmem>>
      tpu.enqueue_dma source(%dma_start3A_54 : memref<64x128xf32, #tpu.memory_space<vmem>>) target(%dma_start3A_51 : memref<64x128xf32, #tpu.memory_space<hbm>>) target_semaphore(%arg10 : memref<!tpu.dma_semaphore, #tpu.memory_space<semaphore_mem>>)
      %dma_start3A_55 = arith.constant 64 : i32
      %dma_start3A_56 = arith.constant 0 : i32
      %dma_start3A_57 = tpu.memref_slice %arg6[%dma_start3A_55, %dma_start3A_56] : memref<128x128xf32, #tpu.memory_space<vmem>> -> memref<64x128xf32, #tpu.memory_space<vmem>>
      %dma_start3A_58 = tpu.memref_slice %arg4[%multiple_of3A, %multiple_of3A_46] : memref<2048x3328xf32, #tpu.memory_space<hbm>> -> memref<64x128xf32, #tpu.memory_space<hbm>>
      %dma_start3A_59 = tpu.memref_slice %arg4[%multiple_of3A, %multiple_of3A_46] : memref<2048x3328xf32, #tpu.memory_space<hbm>> -> memref<64x128xf32, #tpu.memory_space<hbm>>
      %dma_start3A_60 = arith.constant 64 : i32
      %dma_start3A_61 = arith.constant 0 : i32
      %dma_start3A_62 = tpu.memref_slice %arg6[%dma_start3A_60, %dma_start3A_61] : memref<128x128xf32, #tpu.memory_space<vmem>> -> memref<64x128xf32, #tpu.memory_space<vmem>>
      tpu.enqueue_dma source(%dma_start3A_62 : memref<64x128xf32, #tpu.memory_space<vmem>>) target(%dma_start3A_59 : memref<64x128xf32, #tpu.memory_space<hbm>>) target_semaphore(%arg10 : memref<!tpu.dma_semaphore, #tpu.memory_space<semaphore_mem>>)
      %lt3A = arith.constant 13 : i32
      %lt3A_63 = arith.cmpi slt, %add3A_27, %lt3A : i32
      %convert_element_type3A = arith.extui %lt3A_63 : i1 to i32
      %cond3A = arith.constant 0 : i32
      %cond3A_64 = arith.cmpi ne, %convert_element_type3A, %cond3A : i32
      scf.if %cond3A_64 {
        %dma_wait3A_107 = arith.constant 0 : i32
        %dma_wait3A_108 = tpu.memref_slice %arg5[%add3A_27, %dma_wait3A_107] : memref<13x128xi32, #tpu.memory_space<vmem>> -> memref<1x128xi32, #tpu.memory_space<vmem>>
        %dma_wait3A_109 = tpu.memref_squeeze %dma_wait3A_108 : memref<1x128xi32, #tpu.memory_space<vmem>> -> memref<128xi32, #tpu.memory_space<vmem>>
        %dma_wait3A_110 = arith.constant 0 : i32
        %dma_wait3A_111 = arith.constant 0 : i32
        %dma_wait3A_112 = tpu.memref_slice %arg2[%dma_wait3A_110, %dma_wait3A_111] : memref<26000x128xf32, #tpu.memory_space<hbm>> -> memref<26000x128xf32, #tpu.memory_space<hbm>>
        tpu.wait_indirect_dma semaphore(%arg9 : memref<!tpu.dma_semaphore, #tpu.memory_space<semaphore_mem>>) src(%dma_wait3A_112 : memref<26000x128xf32, #tpu.memory_space<hbm>>) dst(%arg7 : memref<128x128xf32, #tpu.memory_space<vmem>>)
        %mul3A_113 = arith.constant 2 : i32
        %mul3A_114 = arith.muli %add3A_27, %mul3A_113 : i32
        %add3A_115 = arith.constant 0 : i32
        %add3A_116 = arith.addi %mul3A_114, %add3A_115 : i32
        %mul3A_117 = arith.constant 128 : i32
        %mul3A_118 = arith.muli %add3A_116, %mul3A_117 : i32
        %multiple_of3A_119 = tpu.assume_multiple %mul3A_118, 128 : i32
        %mul3A_120 = arith.constant 2 : i32
        %mul3A_121 = arith.muli %add3A_27, %mul3A_120 : i32
        %add3A_122 = arith.constant 1 : i32
        %add3A_123 = arith.addi %mul3A_121, %add3A_122 : i32
        %mul3A_124 = arith.constant 128 : i32
        %mul3A_125 = arith.muli %add3A_123, %mul3A_124 : i32
        %multiple_of3A_126 = tpu.assume_multiple %mul3A_125, 128 : i32
        %dma_start3A_127 = arith.constant 0 : i32
        %dma_start3A_128 = arith.constant 0 : i32
        %dma_start3A_129 = tpu.memref_slice %arg7[%dma_start3A_127, %dma_start3A_128] : memref<128x128xf32, #tpu.memory_space<vmem>> -> memref<64x128xf32, #tpu.memory_space<vmem>>
        %dma_start3A_130 = tpu.memref_slice %arg4[%multiple_of3A, %multiple_of3A_119] : memref<2048x3328xf32, #tpu.memory_space<hbm>> -> memref<64x128xf32, #tpu.memory_space<hbm>>
        %dma_start3A_131 = tpu.memref_slice %arg4[%multiple_of3A, %multiple_of3A_119] : memref<2048x3328xf32, #tpu.memory_space<hbm>> -> memref<64x128xf32, #tpu.memory_space<hbm>>
        %dma_start3A_132 = arith.constant 0 : i32
        %dma_start3A_133 = arith.constant 0 : i32
        %dma_start3A_134 = tpu.memref_slice %arg7[%dma_start3A_132, %dma_start3A_133] : memref<128x128xf32, #tpu.memory_space<vmem>> -> memref<64x128xf32, #tpu.memory_space<vmem>>
        tpu.enqueue_dma source(%dma_start3A_134 : memref<64x128xf32, #tpu.memory_space<vmem>>) target(%dma_start3A_131 : memref<64x128xf32, #tpu.memory_space<hbm>>) target_semaphore(%arg11 : memref<!tpu.dma_semaphore, #tpu.memory_space<semaphore_mem>>)
        %dma_start3A_135 = arith.constant 64 : i32
        %dma_start3A_136 = arith.constant 0 : i32
        %dma_start3A_137 = tpu.memref_slice %arg7[%dma_start3A_135, %dma_start3A_136] : memref<128x128xf32, #tpu.memory_space<vmem>> -> memref<64x128xf32, #tpu.memory_space<vmem>>
        %dma_start3A_138 = tpu.memref_slice %arg4[%multiple_of3A, %multiple_of3A_126] : memref<2048x3328xf32, #tpu.memory_space<hbm>> -> memref<64x128xf32, #tpu.memory_space<hbm>>
        %dma_start3A_139 = tpu.memref_slice %arg4[%multiple_of3A, %multiple_of3A_126] : memref<2048x3328xf32, #tpu.memory_space<hbm>> -> memref<64x128xf32, #tpu.memory_space<hbm>>
        %dma_start3A_140 = arith.constant 64 : i32
        %dma_start3A_141 = arith.constant 0 : i32
        %dma_start3A_142 = tpu.memref_slice %arg7[%dma_start3A_140, %dma_start3A_141] : memref<128x128xf32, #tpu.memory_space<vmem>> -> memref<64x128xf32, #tpu.memory_space<vmem>>
        tpu.enqueue_dma source(%dma_start3A_142 : memref<64x128xf32, #tpu.memory_space<vmem>>) target(%dma_start3A_139 : memref<64x128xf32, #tpu.memory_space<hbm>>) target_semaphore(%arg11 : memref<!tpu.dma_semaphore, #tpu.memory_space<semaphore_mem>>)
      } else {
      }
      %mul3A_65 = arith.constant 2 : i32
      %mul3A_66 = arith.muli %mul3A_23, %mul3A_65 : i32
      %add3A_67 = arith.constant 0 : i32
      %add3A_68 = arith.addi %mul3A_66, %add3A_67 : i32
      %mul3A_69 = arith.constant 128 : i32
      %mul3A_70 = arith.muli %add3A_68, %mul3A_69 : i32
      %multiple_of3A_71 = tpu.assume_multiple %mul3A_70, 128 : i32
      %mul3A_72 = arith.constant 2 : i32
      %mul3A_73 = arith.muli %mul3A_23, %mul3A_72 : i32
      %add3A_74 = arith.constant 1 : i32
      %add3A_75 = arith.addi %mul3A_73, %add3A_74 : i32
      %mul3A_76 = arith.constant 128 : i32
      %mul3A_77 = arith.muli %add3A_75, %mul3A_76 : i32
      %multiple_of3A_78 = tpu.assume_multiple %mul3A_77, 128 : i32
      %dma_wait3A_79 = arith.constant 0 : i32
      %dma_wait3A_80 = arith.constant 0 : i32
      %dma_wait3A_81 = tpu.memref_slice %arg6[%dma_wait3A_79, %dma_wait3A_80] : memref<128x128xf32, #tpu.memory_space<vmem>> -> memref<64x128xf32, #tpu.memory_space<vmem>>
      %dma_wait3A_82 = tpu.memref_slice %arg4[%multiple_of3A, %multiple_of3A_71] : memref<2048x3328xf32, #tpu.memory_space<hbm>> -> memref<64x128xf32, #tpu.memory_space<hbm>>
      %dma_wait3A_83 = tpu.memref_slice %arg4[%multiple_of3A, %multiple_of3A_71] : memref<2048x3328xf32, #tpu.memory_space<hbm>> -> memref<64x128xf32, #tpu.memory_space<hbm>>
      %dma_wait3A_84 = arith.constant 0 : i32
      %dma_wait3A_85 = arith.constant 0 : i32
      %dma_wait3A_86 = tpu.memref_slice %arg6[%dma_wait3A_84, %dma_wait3A_85] : memref<128x128xf32, #tpu.memory_space<vmem>> -> memref<64x128xf32, #tpu.memory_space<vmem>>
      tpu.wait_dma2 semaphore(%arg10 : memref<!tpu.dma_semaphore, #tpu.memory_space<semaphore_mem>>) src(%dma_wait3A_86 : memref<64x128xf32, #tpu.memory_space<vmem>>) dst(%dma_wait3A_83 : memref<64x128xf32, #tpu.memory_space<hbm>>)
      %dma_wait3A_87 = arith.constant 64 : i32
      %dma_wait3A_88 = arith.constant 0 : i32
      %dma_wait3A_89 = tpu.memref_slice %arg6[%dma_wait3A_87, %dma_wait3A_88] : memref<128x128xf32, #tpu.memory_space<vmem>> -> memref<64x128xf32, #tpu.memory_space<vmem>>
      %dma_wait3A_90 = tpu.memref_slice %arg4[%multiple_of3A, %multiple_of3A_78] : memref<2048x3328xf32, #tpu.memory_space<hbm>> -> memref<64x128xf32, #tpu.memory_space<hbm>>
      %dma_wait3A_91 = tpu.memref_slice %arg4[%multiple_of3A, %multiple_of3A_78] : memref<2048x3328xf32, #tpu.memory_space<hbm>> -> memref<64x128xf32, #tpu.memory_space<hbm>>
      %dma_wait3A_92 = arith.constant 64 : i32
      %dma_wait3A_93 = arith.constant 0 : i32
      %dma_wait3A_94 = tpu.memref_slice %arg6[%dma_wait3A_92, %dma_wait3A_93] : memref<128x128xf32, #tpu.memory_space<vmem>> -> memref<64x128xf32, #tpu.memory_space<vmem>>
      tpu.wait_dma2 semaphore(%arg10 : memref<!tpu.dma_semaphore, #tpu.memory_space<semaphore_mem>>) src(%dma_wait3A_94 : memref<64x128xf32, #tpu.memory_space<vmem>>) dst(%dma_wait3A_91 : memref<64x128xf32, #tpu.memory_space<hbm>>)
      %add3A_95 = arith.constant 2 : i32
      %add3A_96 = arith.addi %mul3A_23, %add3A_95 : i32
      %lt3A_97 = arith.constant 13 : i32
      %lt3A_98 = arith.cmpi slt, %add3A_96, %lt3A_97 : i32
      %convert_element_type3A_99 = arith.extui %lt3A_98 : i1 to i32
      %cond3A_100 = arith.constant 0 : i32
      %cond3A_101 = arith.cmpi ne, %convert_element_type3A_99, %cond3A_100 : i32
      scf.if %cond3A_101 {
        %add3A_107 = arith.constant 2 : i32
        %add3A_108 = arith.addi %mul3A_23, %add3A_107 : i32
        %dma_start3A_109 = arith.constant 0 : i32
        %dma_start3A_110 = tpu.memref_slice %arg5[%add3A_108, %dma_start3A_109] : memref<13x128xi32, #tpu.memory_space<vmem>> -> memref<1x128xi32, #tpu.memory_space<vmem>>
        %dma_start3A_111 = tpu.memref_squeeze %dma_start3A_110 : memref<1x128xi32, #tpu.memory_space<vmem>> -> memref<128xi32, #tpu.memory_space<vmem>>
        %dma_start3A_112 = arith.constant 0 : i32
        %dma_start3A_113 = arith.constant 0 : i32
        %dma_start3A_114 = tpu.memref_slice %arg2[%dma_start3A_112, %dma_start3A_113] : memref<26000x128xf32, #tpu.memory_space<hbm>> -> memref<26000x128xf32, #tpu.memory_space<hbm>>
        tpu.enqueue_indirect_dma source(%dma_start3A_114 : memref<26000x128xf32, #tpu.memory_space<hbm>>) target(%arg6 : memref<128x128xf32, #tpu.memory_space<vmem>>) offsets(%dma_start3A_111 : memref<128xi32, #tpu.memory_space<vmem>>) semaphore(%arg8 : memref<!tpu.dma_semaphore, #tpu.memory_space<semaphore_mem>>)
      } else {
      }
      %lt3A_102 = arith.constant 13 : i32
      %lt3A_103 = arith.cmpi slt, %add3A_27, %lt3A_102 : i32
      %convert_element_type3A_104 = arith.extui %lt3A_103 : i1 to i32
      %cond3A_105 = arith.constant 0 : i32
      %cond3A_106 = arith.cmpi ne, %convert_element_type3A_104, %cond3A_105 : i32
      scf.if %cond3A_106 {
        %mul3A_107 = arith.constant 2 : i32
        %mul3A_108 = arith.muli %add3A_27, %mul3A_107 : i32
        %add3A_109 = arith.constant 0 : i32
        %add3A_110 = arith.addi %mul3A_108, %add3A_109 : i32
        %mul3A_111 = arith.constant 128 : i32
        %mul3A_112 = arith.muli %add3A_110, %mul3A_111 : i32
        %multiple_of3A_113 = tpu.assume_multiple %mul3A_112, 128 : i32
        %mul3A_114 = arith.constant 2 : i32
        %mul3A_115 = arith.muli %add3A_27, %mul3A_114 : i32
        %add3A_116 = arith.constant 1 : i32
        %add3A_117 = arith.addi %mul3A_115, %add3A_116 : i32
        %mul3A_118 = arith.constant 128 : i32
        %mul3A_119 = arith.muli %add3A_117, %mul3A_118 : i32
        %multiple_of3A_120 = tpu.assume_multiple %mul3A_119, 128 : i32
        %dma_wait3A_121 = arith.constant 0 : i32
        %dma_wait3A_122 = arith.constant 0 : i32
        %dma_wait3A_123 = tpu.memref_slice %arg7[%dma_wait3A_121, %dma_wait3A_122] : memref<128x128xf32, #tpu.memory_space<vmem>> -> memref<64x128xf32, #tpu.memory_space<vmem>>
        %dma_wait3A_124 = tpu.memref_slice %arg4[%multiple_of3A, %multiple_of3A_113] : memref<2048x3328xf32, #tpu.memory_space<hbm>> -> memref<64x128xf32, #tpu.memory_space<hbm>>
        %dma_wait3A_125 = tpu.memref_slice %arg4[%multiple_of3A, %multiple_of3A_113] : memref<2048x3328xf32, #tpu.memory_space<hbm>> -> memref<64x128xf32, #tpu.memory_space<hbm>>
        %dma_wait3A_126 = arith.constant 0 : i32
        %dma_wait3A_127 = arith.constant 0 : i32
        %dma_wait3A_128 = tpu.memref_slice %arg7[%dma_wait3A_126, %dma_wait3A_127] : memref<128x128xf32, #tpu.memory_space<vmem>> -> memref<64x128xf32, #tpu.memory_space<vmem>>
        tpu.wait_dma2 semaphore(%arg11 : memref<!tpu.dma_semaphore, #tpu.memory_space<semaphore_mem>>) src(%dma_wait3A_128 : memref<64x128xf32, #tpu.memory_space<vmem>>) dst(%dma_wait3A_125 : memref<64x128xf32, #tpu.memory_space<hbm>>)
        %dma_wait3A_129 = arith.constant 64 : i32
        %dma_wait3A_130 = arith.constant 0 : i32
        %dma_wait3A_131 = tpu.memref_slice %arg7[%dma_wait3A_129, %dma_wait3A_130] : memref<128x128xf32, #tpu.memory_space<vmem>> -> memref<64x128xf32, #tpu.memory_space<vmem>>
        %dma_wait3A_132 = tpu.memref_slice %arg4[%multiple_of3A, %multiple_of3A_120] : memref<2048x3328xf32, #tpu.memory_space<hbm>> -> memref<64x128xf32, #tpu.memory_space<hbm>>
        %dma_wait3A_133 = tpu.memref_slice %arg4[%multiple_of3A, %multiple_of3A_120] : memref<2048x3328xf32, #tpu.memory_space<hbm>> -> memref<64x128xf32, #tpu.memory_space<hbm>>
        %dma_wait3A_134 = arith.constant 64 : i32
        %dma_wait3A_135 = arith.constant 0 : i32
        %dma_wait3A_136 = tpu.memref_slice %arg7[%dma_wait3A_134, %dma_wait3A_135] : memref<128x128xf32, #tpu.memory_space<vmem>> -> memref<64x128xf32, #tpu.memory_space<vmem>>
        tpu.wait_dma2 semaphore(%arg11 : memref<!tpu.dma_semaphore, #tpu.memory_space<semaphore_mem>>) src(%dma_wait3A_136 : memref<64x128xf32, #tpu.memory_space<vmem>>) dst(%dma_wait3A_133 : memref<64x128xf32, #tpu.memory_space<hbm>>)
        %add3A_137 = arith.constant 2 : i32
        %add3A_138 = arith.addi %add3A_27, %add3A_137 : i32
        %lt3A_139 = arith.constant 13 : i32
        %lt3A_140 = arith.cmpi slt, %add3A_138, %lt3A_139 : i32
        %convert_element_type3A_141 = arith.extui %lt3A_140 : i1 to i32
        %cond3A_142 = arith.constant 0 : i32
        %cond3A_143 = arith.cmpi ne, %convert_element_type3A_141, %cond3A_142 : i32
        scf.if %cond3A_143 {
          %add3A_144 = arith.constant 2 : i32
          %add3A_145 = arith.addi %add3A_27, %add3A_144 : i32
          %dma_start3A_146 = arith.constant 0 : i32
          %dma_start3A_147 = tpu.memref_slice %arg5[%add3A_145, %dma_start3A_146] : memref<13x128xi32, #tpu.memory_space<vmem>> -> memref<1x128xi32, #tpu.memory_space<vmem>>
          %dma_start3A_148 = tpu.memref_squeeze %dma_start3A_147 : memref<1x128xi32, #tpu.memory_space<vmem>> -> memref<128xi32, #tpu.memory_space<vmem>>
          %dma_start3A_149 = arith.constant 0 : i32
          %dma_start3A_150 = arith.constant 0 : i32
          %dma_start3A_151 = tpu.memref_slice %arg2[%dma_start3A_149, %dma_start3A_150] : memref<26000x128xf32, #tpu.memory_space<hbm>> -> memref<26000x128xf32, #tpu.memory_space<hbm>>
          tpu.enqueue_indirect_dma source(%dma_start3A_151 : memref<26000x128xf32, #tpu.memory_space<hbm>>) target(%arg7 : memref<128x128xf32, #tpu.memory_space<vmem>>) offsets(%dma_start3A_148 : memref<128xi32, #tpu.memory_space<vmem>>) semaphore(%arg9 : memref<!tpu.dma_semaphore, #tpu.memory_space<semaphore_mem>>)
        } else {
        }
      } else {
      }
    }
    %scan3A_20 = arith.constant 7 : i32
    return
  }
}

#map = affine_map<(d0, d1) -> (0, 0)>
#map1 = affine_map<(d0, d1) -> (0, 0, 0)>
module attributes {stable_mosaic.version = 14 : i64} {
  func.func @k(%arg0: i32, %arg1: i32, %arg2: memref<26000x128xf32, #tpu.memory_space<hbm>>, %arg3: memref<32x13x128xi32, #tpu.memory_space<hbm>>, %arg4: memref<2048x3328xf32, #tpu.memory_space<hbm>>, %arg5: memref<13x128xi32, #tpu.memory_space<vmem>>, %arg6: memref<128x128xf32, #tpu.memory_space<vmem>>, %arg7: memref<128x128xf32, #tpu.memory_space<vmem>>, %arg8: memref<!tpu.dma_semaphore, #tpu.memory_space<semaphore_mem>>, %arg9: memref<!tpu.dma_semaphore, #tpu.memory_space<semaphore_mem>>, %arg10: memref<!tpu.dma_semaphore, #tpu.memory_space<semaphore_mem>>, %arg11: memref<!tpu.dma_semaphore, #tpu.memory_space<semaphore_mem>>) attributes {dimension_semantics = [#tpu.dimension_semantics<core_parallel>, #tpu.dimension_semantics<subcore_parallel>], iteration_bounds = array<i64: 2, 16>, scalar_prefetch = 0 : i64, scratch_operands = 7 : i64, tpu.core_type = #tpu.core_type<sc_vector_subcore>, window_params = [{transform_indices = #map}, {transform_indices = #map1}, {transform_indices = #map}]} {
    %mul3A = arith.constant 2 : i32
    %mul3A_0 = arith.muli %arg1, %mul3A : i32
    %add3A = arith.addi %mul3A_0, %arg0 : i32
    %mul3A_1 = arith.constant 64 : i32
    %mul3A_2 = arith.muli %add3A, %mul3A_1 : i32
    %multiple_of3A = tpu.assume_multiple %mul3A_2, 64 : i32
    "tpu.region"() ({
      %run_scoped3A = tpu.sem_alloc : memref<!tpu.dma_semaphore, #tpu.memory_space<semaphore_mem>>
      %dma_start3A_21 = arith.constant 0 : i32
      %dma_start3A_22 = arith.constant 0 : i32
      %dma_start3A_23 = tpu.memref_slice %arg3[%add3A, %dma_start3A_21, %dma_start3A_22] : memref<32x13x128xi32, #tpu.memory_space<hbm>> -> memref<1x13x128xi32, #tpu.memory_space<hbm>>
      %dma_start3A_24 = tpu.memref_squeeze %dma_start3A_23 : memref<1x13x128xi32, #tpu.memory_space<hbm>> -> memref<13x128xi32, #tpu.memory_space<hbm>>
      %dma_start3A_25 = arith.constant 0 : i32
      %dma_start3A_26 = arith.constant 0 : i32
      %dma_start3A_27 = tpu.memref_slice %arg3[%add3A, %dma_start3A_25, %dma_start3A_26] : memref<32x13x128xi32, #tpu.memory_space<hbm>> -> memref<1x13x128xi32, #tpu.memory_space<hbm>>
      %dma_start3A_28 = tpu.memref_squeeze %dma_start3A_27 : memref<1x13x128xi32, #tpu.memory_space<hbm>> -> memref<13x128xi32, #tpu.memory_space<hbm>>
      tpu.enqueue_dma source(%dma_start3A_28 : memref<13x128xi32, #tpu.memory_space<hbm>>) target(%arg5 : memref<13x128xi32, #tpu.memory_space<vmem>>) target_semaphore(%run_scoped3A : memref<!tpu.dma_semaphore, #tpu.memory_space<semaphore_mem>>)
      %dma_wait3A = arith.constant 0 : i32
      %dma_wait3A_29 = arith.constant 0 : i32
      %dma_wait3A_30 = tpu.memref_slice %arg3[%add3A, %dma_wait3A, %dma_wait3A_29] : memref<32x13x128xi32, #tpu.memory_space<hbm>> -> memref<1x13x128xi32, #tpu.memory_space<hbm>>
      %dma_wait3A_31 = tpu.memref_squeeze %dma_wait3A_30 : memref<1x13x128xi32, #tpu.memory_space<hbm>> -> memref<13x128xi32, #tpu.memory_space<hbm>>
      %dma_wait3A_32 = arith.constant 0 : i32
      %dma_wait3A_33 = arith.constant 0 : i32
      %dma_wait3A_34 = tpu.memref_slice %arg3[%add3A, %dma_wait3A_32, %dma_wait3A_33] : memref<32x13x128xi32, #tpu.memory_space<hbm>> -> memref<1x13x128xi32, #tpu.memory_space<hbm>>
      %dma_wait3A_35 = tpu.memref_squeeze %dma_wait3A_34 : memref<1x13x128xi32, #tpu.memory_space<hbm>> -> memref<13x128xi32, #tpu.memory_space<hbm>>
      tpu.wait_dma2 semaphore(%run_scoped3A : memref<!tpu.dma_semaphore, #tpu.memory_space<semaphore_mem>>) src(%dma_wait3A_35 : memref<13x128xi32, #tpu.memory_space<hbm>>) dst(%arg5 : memref<13x128xi32, #tpu.memory_space<vmem>>)
      tpu.yield
    }) : () -> ()
    %dma_start3A = arith.constant 0 : i32
    %dma_start3A_3 = arith.constant 0 : i32
    %dma_start3A_4 = tpu.memref_slice %arg5[%dma_start3A, %dma_start3A_3] : memref<13x128xi32, #tpu.memory_space<vmem>> -> memref<1x128xi32, #tpu.memory_space<vmem>>
    %dma_start3A_5 = tpu.memref_squeeze %dma_start3A_4 : memref<1x128xi32, #tpu.memory_space<vmem>> -> memref<128xi32, #tpu.memory_space<vmem>>
    %dma_start3A_6 = arith.constant 0 : i32
    %dma_start3A_7 = arith.constant 0 : i32
    %dma_start3A_8 = tpu.memref_slice %arg2[%dma_start3A_6, %dma_start3A_7] : memref<26000x128xf32, #tpu.memory_space<hbm>> -> memref<26000x128xf32, #tpu.memory_space<hbm>>
    tpu.enqueue_indirect_dma source(%dma_start3A_8 : memref<26000x128xf32, #tpu.memory_space<hbm>>) target(%arg6 : memref<128x128xf32, #tpu.memory_space<vmem>>) offsets(%dma_start3A_5 : memref<128xi32, #tpu.memory_space<vmem>>) semaphore(%arg8 : memref<!tpu.dma_semaphore, #tpu.memory_space<semaphore_mem>>)
    %dma_start3A_9 = arith.constant 1 : i32
    %dma_start3A_10 = arith.constant 0 : i32
    %dma_start3A_11 = tpu.memref_slice %arg5[%dma_start3A_9, %dma_start3A_10] : memref<13x128xi32, #tpu.memory_space<vmem>> -> memref<1x128xi32, #tpu.memory_space<vmem>>
    %dma_start3A_12 = tpu.memref_squeeze %dma_start3A_11 : memref<1x128xi32, #tpu.memory_space<vmem>> -> memref<128xi32, #tpu.memory_space<vmem>>
    %dma_start3A_13 = arith.constant 0 : i32
    %dma_start3A_14 = arith.constant 0 : i32
    %dma_start3A_15 = tpu.memref_slice %arg2[%dma_start3A_13, %dma_start3A_14] : memref<26000x128xf32, #tpu.memory_space<hbm>> -> memref<26000x128xf32, #tpu.memory_space<hbm>>
    tpu.enqueue_indirect_dma source(%dma_start3A_15 : memref<26000x128xf32, #tpu.memory_space<hbm>>) target(%arg7 : memref<128x128xf32, #tpu.memory_space<vmem>>) offsets(%dma_start3A_12 : memref<128xi32, #tpu.memory_space<vmem>>) semaphore(%arg9 : memref<!tpu.dma_semaphore, #tpu.memory_space<semaphore_mem>>)
    %scan3A = arith.constant 0 : i32
    %scan3A_16 = arith.constant 0 : i32
    %scan3A_17 = arith.constant 7 : i32
    %scan3A_18 = arith.addi %scan3A_16, %scan3A_17 : i32
    %scan3A_19 = arith.constant 1 : i32
    scf.for %scan3A_21 = %scan3A_16 to %scan3A_18 step %scan3A_19  : i32 {
      %mul3A_22 = arith.constant 2 : i32
      %mul3A_23 = arith.muli %mul3A_22, %scan3A_21 : i32
      %mul3A_24 = arith.constant 2 : i32
      %mul3A_25 = arith.muli %mul3A_24, %scan3A_21 : i32
      %add3A_26 = arith.constant 1 : i32
      %add3A_27 = arith.addi %mul3A_25, %add3A_26 : i32
      %dma_wait3A = arith.constant 0 : i32
      %dma_wait3A_28 = tpu.memref_slice %arg5[%mul3A_23, %dma_wait3A] : memref<13x128xi32, #tpu.memory_space<vmem>> -> memref<1x128xi32, #tpu.memory_space<vmem>>
      %dma_wait3A_29 = tpu.memref_squeeze %dma_wait3A_28 : memref<1x128xi32, #tpu.memory_space<vmem>> -> memref<128xi32, #tpu.memory_space<vmem>>
      %dma_wait3A_30 = arith.constant 0 : i32
      %dma_wait3A_31 = arith.constant 0 : i32
      %dma_wait3A_32 = tpu.memref_slice %arg2[%dma_wait3A_30, %dma_wait3A_31] : memref<26000x128xf32, #tpu.memory_space<hbm>> -> memref<26000x128xf32, #tpu.memory_space<hbm>>
      tpu.wait_indirect_dma semaphore(%arg8 : memref<!tpu.dma_semaphore, #tpu.memory_space<semaphore_mem>>) src(%dma_wait3A_32 : memref<26000x128xf32, #tpu.memory_space<hbm>>) dst(%arg6 : memref<128x128xf32, #tpu.memory_space<vmem>>)
      %mul3A_33 = arith.constant 2 : i32
      %mul3A_34 = arith.muli %mul3A_23, %mul3A_33 : i32
      %add3A_35 = arith.constant 0 : i32
      %add3A_36 = arith.addi %mul3A_34, %add3A_35 : i32
      %mul3A_37 = arith.constant 128 : i32
      %mul3A_38 = arith.muli %add3A_36, %mul3A_37 : i32
      %multiple_of3A_39 = tpu.assume_multiple %mul3A_38, 128 : i32
      %mul3A_40 = arith.constant 2 : i32
      %mul3A_41 = arith.muli %mul3A_23, %mul3A_40 : i32
      %add3A_42 = arith.constant 1 : i32
      %add3A_43 = arith.addi %mul3A_41, %add3A_42 : i32
      %mul3A_44 = arith.constant 128 : i32
      %mul3A_45 = arith.muli %add3A_43, %mul3A_44 : i32
      %multiple_of3A_46 = tpu.assume_multiple %mul3A_45, 128 : i32
      %dma_start3A_47 = arith.constant 0 : i32
      %dma_start3A_48 = arith.constant 0 : i32
      %dma_start3A_49 = tpu.memref_slice %arg6[%dma_start3A_47, %dma_start3A_48] : memref<128x128xf32, #tpu.memory_space<vmem>> -> memref<64x128xf32, #tpu.memory_space<vmem>>
      %dma_start3A_50 = tpu.memref_slice %arg4[%multiple_of3A, %multiple_of3A_39] : memref<2048x3328xf32, #tpu.memory_space<hbm>> -> memref<64x128xf32, #tpu.memory_space<hbm>>
      %dma_start3A_51 = tpu.memref_slice %arg4[%multiple_of3A, %multiple_of3A_39] : memref<2048x3328xf32, #tpu.memory_space<hbm>> -> memref<64x128xf32, #tpu.memory_space<hbm>>
      %dma_start3A_52 = arith.constant 0 : i32
      %dma_start3A_53 = arith.constant 0 : i32
      %dma_start3A_54 = tpu.memref_slice %arg6[%dma_start3A_52, %dma_start3A_53] : memref<128x128xf32, #tpu.memory_space<vmem>> -> memref<64x128xf32, #tpu.memory_space<vmem>>
      tpu.enqueue_dma source(%dma_start3A_54 : memref<64x128xf32, #tpu.memory_space<vmem>>) target(%dma_start3A_51 : memref<64x128xf32, #tpu.memory_space<hbm>>) target_semaphore(%arg10 : memref<!tpu.dma_semaphore, #tpu.memory_space<semaphore_mem>>)
      %dma_start3A_55 = arith.constant 64 : i32
      %dma_start3A_56 = arith.constant 0 : i32
      %dma_start3A_57 = tpu.memref_slice %arg6[%dma_start3A_55, %dma_start3A_56] : memref<128x128xf32, #tpu.memory_space<vmem>> -> memref<64x128xf32, #tpu.memory_space<vmem>>
      %dma_start3A_58 = tpu.memref_slice %arg4[%multiple_of3A, %multiple_of3A_46] : memref<2048x3328xf32, #tpu.memory_space<hbm>> -> memref<64x128xf32, #tpu.memory_space<hbm>>
      %dma_start3A_59 = tpu.memref_slice %arg4[%multiple_of3A, %multiple_of3A_46] : memref<2048x3328xf32, #tpu.memory_space<hbm>> -> memref<64x128xf32, #tpu.memory_space<hbm>>
      %dma_start3A_60 = arith.constant 64 : i32
      %dma_start3A_61 = arith.constant 0 : i32
      %dma_start3A_62 = tpu.memref_slice %arg6[%dma_start3A_60, %dma_start3A_61] : memref<128x128xf32, #tpu.memory_space<vmem>> -> memref<64x128xf32, #tpu.memory_space<vmem>>
      tpu.enqueue_dma source(%dma_start3A_62 : memref<64x128xf32, #tpu.memory_space<vmem>>) target(%dma_start3A_59 : memref<64x128xf32, #tpu.memory_space<hbm>>) target_semaphore(%arg10 : memref<!tpu.dma_semaphore, #tpu.memory_space<semaphore_mem>>)
      %lt3A = arith.constant 13 : i32
      %lt3A_63 = arith.cmpi slt, %add3A_27, %lt3A : i32
      %convert_element_type3A = arith.extui %lt3A_63 : i1 to i32
      %cond3A = arith.constant 0 : i32
      %cond3A_64 = arith.cmpi ne, %convert_element_type3A, %cond3A : i32
      scf.if %cond3A_64 {
        %dma_wait3A_107 = arith.constant 0 : i32
        %dma_wait3A_108 = tpu.memref_slice %arg5[%add3A_27, %dma_wait3A_107] : memref<13x128xi32, #tpu.memory_space<vmem>> -> memref<1x128xi32, #tpu.memory_space<vmem>>
        %dma_wait3A_109 = tpu.memref_squeeze %dma_wait3A_108 : memref<1x128xi32, #tpu.memory_space<vmem>> -> memref<128xi32, #tpu.memory_space<vmem>>
        %dma_wait3A_110 = arith.constant 0 : i32
        %dma_wait3A_111 = arith.constant 0 : i32
        %dma_wait3A_112 = tpu.memref_slice %arg2[%dma_wait3A_110, %dma_wait3A_111] : memref<26000x128xf32, #tpu.memory_space<hbm>> -> memref<26000x128xf32, #tpu.memory_space<hbm>>
        tpu.wait_indirect_dma semaphore(%arg9 : memref<!tpu.dma_semaphore, #tpu.memory_space<semaphore_mem>>) src(%dma_wait3A_112 : memref<26000x128xf32, #tpu.memory_space<hbm>>) dst(%arg7 : memref<128x128xf32, #tpu.memory_space<vmem>>)
        %mul3A_113 = arith.constant 2 : i32
        %mul3A_114 = arith.muli %add3A_27, %mul3A_113 : i32
        %add3A_115 = arith.constant 0 : i32
        %add3A_116 = arith.addi %mul3A_114, %add3A_115 : i32
        %mul3A_117 = arith.constant 128 : i32
        %mul3A_118 = arith.muli %add3A_116, %mul3A_117 : i32
        %multiple_of3A_119 = tpu.assume_multiple %mul3A_118, 128 : i32
        %mul3A_120 = arith.constant 2 : i32
        %mul3A_121 = arith.muli %add3A_27, %mul3A_120 : i32
        %add3A_122 = arith.constant 1 : i32
        %add3A_123 = arith.addi %mul3A_121, %add3A_122 : i32
        %mul3A_124 = arith.constant 128 : i32
        %mul3A_125 = arith.muli %add3A_123, %mul3A_124 : i32
        %multiple_of3A_126 = tpu.assume_multiple %mul3A_125, 128 : i32
        %dma_start3A_127 = arith.constant 0 : i32
        %dma_start3A_128 = arith.constant 0 : i32
        %dma_start3A_129 = tpu.memref_slice %arg7[%dma_start3A_127, %dma_start3A_128] : memref<128x128xf32, #tpu.memory_space<vmem>> -> memref<64x128xf32, #tpu.memory_space<vmem>>
        %dma_start3A_130 = tpu.memref_slice %arg4[%multiple_of3A, %multiple_of3A_119] : memref<2048x3328xf32, #tpu.memory_space<hbm>> -> memref<64x128xf32, #tpu.memory_space<hbm>>
        %dma_start3A_131 = tpu.memref_slice %arg4[%multiple_of3A, %multiple_of3A_119] : memref<2048x3328xf32, #tpu.memory_space<hbm>> -> memref<64x128xf32, #tpu.memory_space<hbm>>
        %dma_start3A_132 = arith.constant 0 : i32
        %dma_start3A_133 = arith.constant 0 : i32
        %dma_start3A_134 = tpu.memref_slice %arg7[%dma_start3A_132, %dma_start3A_133] : memref<128x128xf32, #tpu.memory_space<vmem>> -> memref<64x128xf32, #tpu.memory_space<vmem>>
        tpu.enqueue_dma source(%dma_start3A_134 : memref<64x128xf32, #tpu.memory_space<vmem>>) target(%dma_start3A_131 : memref<64x128xf32, #tpu.memory_space<hbm>>) target_semaphore(%arg11 : memref<!tpu.dma_semaphore, #tpu.memory_space<semaphore_mem>>)
        %dma_start3A_135 = arith.constant 64 : i32
        %dma_start3A_136 = arith.constant 0 : i32
        %dma_start3A_137 = tpu.memref_slice %arg7[%dma_start3A_135, %dma_start3A_136] : memref<128x128xf32, #tpu.memory_space<vmem>> -> memref<64x128xf32, #tpu.memory_space<vmem>>
        %dma_start3A_138 = tpu.memref_slice %arg4[%multiple_of3A, %multiple_of3A_126] : memref<2048x3328xf32, #tpu.memory_space<hbm>> -> memref<64x128xf32, #tpu.memory_space<hbm>>
        %dma_start3A_139 = tpu.memref_slice %arg4[%multiple_of3A, %multiple_of3A_126] : memref<2048x3328xf32, #tpu.memory_space<hbm>> -> memref<64x128xf32, #tpu.memory_space<hbm>>
        %dma_start3A_140 = arith.constant 64 : i32
        %dma_start3A_141 = arith.constant 0 : i32
        %dma_start3A_142 = tpu.memref_slice %arg7[%dma_start3A_140, %dma_start3A_141] : memref<128x128xf32, #tpu.memory_space<vmem>> -> memref<64x128xf32, #tpu.memory_space<vmem>>
        tpu.enqueue_dma source(%dma_start3A_142 : memref<64x128xf32, #tpu.memory_space<vmem>>) target(%dma_start3A_139 : memref<64x128xf32, #tpu.memory_space<hbm>>) target_semaphore(%arg11 : memref<!tpu.dma_semaphore, #tpu.memory_space<semaphore_mem>>)
      } else {
      }
      %mul3A_65 = arith.constant 2 : i32
      %mul3A_66 = arith.muli %mul3A_23, %mul3A_65 : i32
      %add3A_67 = arith.constant 0 : i32
      %add3A_68 = arith.addi %mul3A_66, %add3A_67 : i32
      %mul3A_69 = arith.constant 128 : i32
      %mul3A_70 = arith.muli %add3A_68, %mul3A_69 : i32
      %multiple_of3A_71 = tpu.assume_multiple %mul3A_70, 128 : i32
      %mul3A_72 = arith.constant 2 : i32
      %mul3A_73 = arith.muli %mul3A_23, %mul3A_72 : i32
      %add3A_74 = arith.constant 1 : i32
      %add3A_75 = arith.addi %mul3A_73, %add3A_74 : i32
      %mul3A_76 = arith.constant 128 : i32
      %mul3A_77 = arith.muli %add3A_75, %mul3A_76 : i32
      %multiple_of3A_78 = tpu.assume_multiple %mul3A_77, 128 : i32
      %dma_wait3A_79 = arith.constant 0 : i32
      %dma_wait3A_80 = arith.constant 0 : i32
      %dma_wait3A_81 = tpu.memref_slice %arg6[%dma_wait3A_79, %dma_wait3A_80] : memref<128x128xf32, #tpu.memory_space<vmem>> -> memref<64x128xf32, #tpu.memory_space<vmem>>
      %dma_wait3A_82 = tpu.memref_slice %arg4[%multiple_of3A, %multiple_of3A_71] : memref<2048x3328xf32, #tpu.memory_space<hbm>> -> memref<64x128xf32, #tpu.memory_space<hbm>>
      %dma_wait3A_83 = tpu.memref_slice %arg4[%multiple_of3A, %multiple_of3A_71] : memref<2048x3328xf32, #tpu.memory_space<hbm>> -> memref<64x128xf32, #tpu.memory_space<hbm>>
      %dma_wait3A_84 = arith.constant 0 : i32
      %dma_wait3A_85 = arith.constant 0 : i32
      %dma_wait3A_86 = tpu.memref_slice %arg6[%dma_wait3A_84, %dma_wait3A_85] : memref<128x128xf32, #tpu.memory_space<vmem>> -> memref<64x128xf32, #tpu.memory_space<vmem>>
      tpu.wait_dma2 semaphore(%arg10 : memref<!tpu.dma_semaphore, #tpu.memory_space<semaphore_mem>>) src(%dma_wait3A_86 : memref<64x128xf32, #tpu.memory_space<vmem>>) dst(%dma_wait3A_83 : memref<64x128xf32, #tpu.memory_space<hbm>>)
      %dma_wait3A_87 = arith.constant 64 : i32
      %dma_wait3A_88 = arith.constant 0 : i32
      %dma_wait3A_89 = tpu.memref_slice %arg6[%dma_wait3A_87, %dma_wait3A_88] : memref<128x128xf32, #tpu.memory_space<vmem>> -> memref<64x128xf32, #tpu.memory_space<vmem>>
      %dma_wait3A_90 = tpu.memref_slice %arg4[%multiple_of3A, %multiple_of3A_78] : memref<2048x3328xf32, #tpu.memory_space<hbm>> -> memref<64x128xf32, #tpu.memory_space<hbm>>
      %dma_wait3A_91 = tpu.memref_slice %arg4[%multiple_of3A, %multiple_of3A_78] : memref<2048x3328xf32, #tpu.memory_space<hbm>> -> memref<64x128xf32, #tpu.memory_space<hbm>>
      %dma_wait3A_92 = arith.constant 64 : i32
      %dma_wait3A_93 = arith.constant 0 : i32
      %dma_wait3A_94 = tpu.memref_slice %arg6[%dma_wait3A_92, %dma_wait3A_93] : memref<128x128xf32, #tpu.memory_space<vmem>> -> memref<64x128xf32, #tpu.memory_space<vmem>>
      tpu.wait_dma2 semaphore(%arg10 : memref<!tpu.dma_semaphore, #tpu.memory_space<semaphore_mem>>) src(%dma_wait3A_94 : memref<64x128xf32, #tpu.memory_space<vmem>>) dst(%dma_wait3A_91 : memref<64x128xf32, #tpu.memory_space<hbm>>)
      %add3A_95 = arith.constant 2 : i32
      %add3A_96 = arith.addi %mul3A_23, %add3A_95 : i32
      %lt3A_97 = arith.constant 13 : i32
      %lt3A_98 = arith.cmpi slt, %add3A_96, %lt3A_97 : i32
      %convert_element_type3A_99 = arith.extui %lt3A_98 : i1 to i32
      %cond3A_100 = arith.constant 0 : i32
      %cond3A_101 = arith.cmpi ne, %convert_element_type3A_99, %cond3A_100 : i32
      scf.if %cond3A_101 {
        %add3A_107 = arith.constant 2 : i32
        %add3A_108 = arith.addi %mul3A_23, %add3A_107 : i32
        %dma_start3A_109 = arith.constant 0 : i32
        %dma_start3A_110 = tpu.memref_slice %arg5[%add3A_108, %dma_start3A_109] : memref<13x128xi32, #tpu.memory_space<vmem>> -> memref<1x128xi32, #tpu.memory_space<vmem>>
        %dma_start3A_111 = tpu.memref_squeeze %dma_start3A_110 : memref<1x128xi32, #tpu.memory_space<vmem>> -> memref<128xi32, #tpu.memory_space<vmem>>
        %dma_start3A_112 = arith.constant 0 : i32
        %dma_start3A_113 = arith.constant 0 : i32
        %dma_start3A_114 = tpu.memref_slice %arg2[%dma_start3A_112, %dma_start3A_113] : memref<26000x128xf32, #tpu.memory_space<hbm>> -> memref<26000x128xf32, #tpu.memory_space<hbm>>
        tpu.enqueue_indirect_dma source(%dma_start3A_114 : memref<26000x128xf32, #tpu.memory_space<hbm>>) target(%arg6 : memref<128x128xf32, #tpu.memory_space<vmem>>) offsets(%dma_start3A_111 : memref<128xi32, #tpu.memory_space<vmem>>) semaphore(%arg8 : memref<!tpu.dma_semaphore, #tpu.memory_space<semaphore_mem>>)
      } else {
      }
      %lt3A_102 = arith.constant 13 : i32
      %lt3A_103 = arith.cmpi slt, %add3A_27, %lt3A_102 : i32
      %convert_element_type3A_104 = arith.extui %lt3A_103 : i1 to i32
      %cond3A_105 = arith.constant 0 : i32
      %cond3A_106 = arith.cmpi ne, %convert_element_type3A_104, %cond3A_105 : i32
      scf.if %cond3A_106 {
        %mul3A_107 = arith.constant 2 : i32
        %mul3A_108 = arith.muli %add3A_27, %mul3A_107 : i32
        %add3A_109 = arith.constant 0 : i32
        %add3A_110 = arith.addi %mul3A_108, %add3A_109 : i32
        %mul3A_111 = arith.constant 128 : i32
        %mul3A_112 = arith.muli %add3A_110, %mul3A_111 : i32
        %multiple_of3A_113 = tpu.assume_multiple %mul3A_112, 128 : i32
        %mul3A_114 = arith.constant 2 : i32
        %mul3A_115 = arith.muli %add3A_27, %mul3A_114 : i32
        %add3A_116 = arith.constant 1 : i32
        %add3A_117 = arith.addi %mul3A_115, %add3A_116 : i32
        %mul3A_118 = arith.constant 128 : i32
        %mul3A_119 = arith.muli %add3A_117, %mul3A_118 : i32
        %multiple_of3A_120 = tpu.assume_multiple %mul3A_119, 128 : i32
        %dma_wait3A_121 = arith.constant 0 : i32
        %dma_wait3A_122 = arith.constant 0 : i32
        %dma_wait3A_123 = tpu.memref_slice %arg7[%dma_wait3A_121, %dma_wait3A_122] : memref<128x128xf32, #tpu.memory_space<vmem>> -> memref<64x128xf32, #tpu.memory_space<vmem>>
        %dma_wait3A_124 = tpu.memref_slice %arg4[%multiple_of3A, %multiple_of3A_113] : memref<2048x3328xf32, #tpu.memory_space<hbm>> -> memref<64x128xf32, #tpu.memory_space<hbm>>
        %dma_wait3A_125 = tpu.memref_slice %arg4[%multiple_of3A, %multiple_of3A_113] : memref<2048x3328xf32, #tpu.memory_space<hbm>> -> memref<64x128xf32, #tpu.memory_space<hbm>>
        %dma_wait3A_126 = arith.constant 0 : i32
        %dma_wait3A_127 = arith.constant 0 : i32
        %dma_wait3A_128 = tpu.memref_slice %arg7[%dma_wait3A_126, %dma_wait3A_127] : memref<128x128xf32, #tpu.memory_space<vmem>> -> memref<64x128xf32, #tpu.memory_space<vmem>>
        tpu.wait_dma2 semaphore(%arg11 : memref<!tpu.dma_semaphore, #tpu.memory_space<semaphore_mem>>) src(%dma_wait3A_128 : memref<64x128xf32, #tpu.memory_space<vmem>>) dst(%dma_wait3A_125 : memref<64x128xf32, #tpu.memory_space<hbm>>)
        %dma_wait3A_129 = arith.constant 64 : i32
        %dma_wait3A_130 = arith.constant 0 : i32
        %dma_wait3A_131 = tpu.memref_slice %arg7[%dma_wait3A_129, %dma_wait3A_130] : memref<128x128xf32, #tpu.memory_space<vmem>> -> memref<64x128xf32, #tpu.memory_space<vmem>>
        %dma_wait3A_132 = tpu.memref_slice %arg4[%multiple_of3A, %multiple_of3A_120] : memref<2048x3328xf32, #tpu.memory_space<hbm>> -> memref<64x128xf32, #tpu.memory_space<hbm>>
        %dma_wait3A_133 = tpu.memref_slice %arg4[%multiple_of3A, %multiple_of3A_120] : memref<2048x3328xf32, #tpu.memory_space<hbm>> -> memref<64x128xf32, #tpu.memory_space<hbm>>
        %dma_wait3A_134 = arith.constant 64 : i32
        %dma_wait3A_135 = arith.constant 0 : i32
        %dma_wait3A_136 = tpu.memref_slice %arg7[%dma_wait3A_134, %dma_wait3A_135] : memref<128x128xf32, #tpu.memory_space<vmem>> -> memref<64x128xf32, #tpu.memory_space<vmem>>
        tpu.wait_dma2 semaphore(%arg11 : memref<!tpu.dma_semaphore, #tpu.memory_space<semaphore_mem>>) src(%dma_wait3A_136 : memref<64x128xf32, #tpu.memory_space<vmem>>) dst(%dma_wait3A_133 : memref<64x128xf32, #tpu.memory_space<hbm>>)
        %add3A_137 = arith.constant 2 : i32
        %add3A_138 = arith.addi %add3A_27, %add3A_137 : i32
        %lt3A_139 = arith.constant 13 : i32
        %lt3A_140 = arith.cmpi slt, %add3A_138, %lt3A_139 : i32
        %convert_element_type3A_141 = arith.extui %lt3A_140 : i1 to i32
        %cond3A_142 = arith.constant 0 : i32
        %cond3A_143 = arith.cmpi ne, %convert_element_type3A_141, %cond3A_142 : i32
        scf.if %cond3A_143 {
          %add3A_144 = arith.constant 2 : i32
          %add3A_145 = arith.addi %add3A_27, %add3A_144 : i32
          %dma_start3A_146 = arith.constant 0 : i32
          %dma_start3A_147 = tpu.memref_slice %arg5[%add3A_145, %dma_start3A_146] : memref<13x128xi32, #tpu.memory_space<vmem>> -> memref<1x128xi32, #tpu.memory_space<vmem>>
          %dma_start3A_148 = tpu.memref_squeeze %dma_start3A_147 : memref<1x128xi32, #tpu.memory_space<vmem>> -> memref<128xi32, #tpu.memory_space<vmem>>
          %dma_start3A_149 = arith.constant 0 : i32
          %dma_start3A_150 = arith.constant 0 : i32
          %dma_start3A_151 = tpu.memref_slice %arg2[%dma_start3A_149, %dma_start3A_150] : memref<26000x128xf32, #tpu.memory_space<hbm>> -> memref<26000x128xf32, #tpu.memory_space<hbm>>
          tpu.enqueue_indirect_dma source(%dma_start3A_151 : memref<26000x128xf32, #tpu.memory_space<hbm>>) target(%arg7 : memref<128x128xf32, #tpu.memory_space<vmem>>) offsets(%dma_start3A_148 : memref<128xi32, #tpu.memory_space<vmem>>) semaphore(%arg9 : memref<!tpu.dma_semaphore, #tpu.memory_space<semaphore_mem>>)
        } else {
        }
      } else {
      }
    }
    %scan3A_20 = arith.constant 7 : i32
    return
  }
}

module attributes {stable_mosaic.version = 14 : i64} {
  func.func @_mlp_body(%arg0: i32, %arg1: memref<512x1024xf32, #tpu.memory_space<vmem>>, %arg2: memref<512x3328xf32, #tpu.memory_space<vmem>>, %arg3: memref<3328x1024xbf16, #tpu.memory_space<vmem>>, %arg4: memref<1x1024xf32, #tpu.memory_space<vmem>>, %arg5: memref<1024x512xbf16, #tpu.memory_space<vmem>>, %arg6: memref<1x512xf32, #tpu.memory_space<vmem>>, %arg7: memref<512x256xbf16, #tpu.memory_space<vmem>>, %arg8: memref<1x256xf32, #tpu.memory_space<vmem>>, %arg9: memref<1024x1xf32, #tpu.memory_space<vmem>>, %arg10: memref<256x1xf32, #tpu.memory_space<vmem>>, %arg11: memref<1x1xf32, #tpu.memory_space<vmem>>, %arg12: memref<512x1xf32, #tpu.memory_space<vmem>>) attributes {dimension_semantics = [#tpu.dimension_semantics<arbitrary>], iteration_bounds = array<i64: 4>, scalar_prefetch = 0 : i64, scratch_operands = 0 : i64, tpu.core_type = #tpu.core_type<tc>, window_params = [{transform_indices = @transform_0, window_bounds = array<i64: 512, 1024>}, {transform_indices = @transform_1, window_bounds = array<i64: 512, 3328>}, {pipeline_mode = #tpu.pipeline_mode<synchronous>, transform_indices = @transform_2, window_bounds = array<i64: 3328, 1024>}, {pipeline_mode = #tpu.pipeline_mode<synchronous>, transform_indices = @transform_3, window_bounds = array<i64: 1, 1024>}, {pipeline_mode = #tpu.pipeline_mode<synchronous>, transform_indices = @transform_4, window_bounds = array<i64: 1024, 512>}, {pipeline_mode = #tpu.pipeline_mode<synchronous>, transform_indices = @transform_5, window_bounds = array<i64: 1, 512>}, {pipeline_mode = #tpu.pipeline_mode<synchronous>, transform_indices = @transform_6, window_bounds = array<i64: 512, 256>}, {pipeline_mode = #tpu.pipeline_mode<synchronous>, transform_indices = @transform_7, window_bounds = array<i64: 1, 256>}, {pipeline_mode = #tpu.pipeline_mode<synchronous>, transform_indices = @transform_8, window_bounds = array<i64: 1024, 1>}, {pipeline_mode = #tpu.pipeline_mode<synchronous>, transform_indices = @transform_9, window_bounds = array<i64: 256, 1>}, {pipeline_mode = #tpu.pipeline_mode<synchronous>, transform_indices = @transform_10, window_bounds = array<i64: 1, 1>}, {transform_indices = @transform_11, window_bounds = array<i64: 512, 1>}]} {
    %get3A = arith.constant 0 : index
    %get3A_0 = arith.constant 0 : index
    %get3A_1 = vector.load %arg2[%get3A, %get3A_0] : memref<512x3328xf32, #tpu.memory_space<vmem>>, vector<512x3328xf32>
    %convert_element_type3A = arith.truncf %get3A_1 : vector<512x3328xf32> to vector<512x3328xbf16>
    %get3A_2 = arith.constant 0 : index
    %get3A_3 = arith.constant 0 : index
    %get3A_4 = vector.load %arg3[%get3A_2, %get3A_3] : memref<3328x1024xbf16, #tpu.memory_space<vmem>>, vector<3328x1024xbf16>
    %dot_general3A = arith.constant dense<0.000000e+00> : vector<512x1024xf32>
    %dot_general3A_5 = tpu.matmul %convert_element_type3A, %get3A_4, %dot_general3A {dimension_numbers = #tpu.dot_dimension_numbers<[1], [0], [0], [1], [0, 0, 1, 1], [], []>, transpose_lhs_hint = false} : vector<512x3328xbf16>, vector<3328x1024xbf16>, vector<512x1024xf32> -> vector<512x1024xf32>
    %get3A_6 = arith.constant 0 : index
    %get3A_7 = arith.constant 0 : index
    %get3A_8 = vector.load %arg4[%get3A_6, %get3A_7] : memref<1x1024xf32, #tpu.memory_space<vmem>>, vector<1x1024xf32>
    %add3A = vector.broadcast %get3A_8 : vector<1x1024xf32> to vector<512x1024xf32>
    %add3A_9 = arith.addf %dot_general3A_5, %add3A : vector<512x1024xf32>
    %max3A = arith.constant 0.000000e+00 : f32
    %max3A_10 = vector.broadcast %max3A : f32 to vector<512x1024xf32>
    %max3A_11 = arith.maximumf %add3A_9, %max3A_10 : vector<512x1024xf32>
    %convert_element_type3A_12 = arith.truncf %max3A_11 : vector<512x1024xf32> to vector<512x1024xbf16>
    %get3A_13 = arith.constant 0 : index
    %get3A_14 = arith.constant 0 : index
    %get3A_15 = vector.load %arg5[%get3A_13, %get3A_14] : memref<1024x512xbf16, #tpu.memory_space<vmem>>, vector<1024x512xbf16>
    %dot_general3A_16 = arith.constant dense<0.000000e+00> : vector<512x512xf32>
    %dot_general3A_17 = tpu.matmul %convert_element_type3A_12, %get3A_15, %dot_general3A_16 {dimension_numbers = #tpu.dot_dimension_numbers<[1], [0], [0], [1], [0, 0, 1, 1], [], []>, transpose_lhs_hint = false} : vector<512x1024xbf16>, vector<1024x512xbf16>, vector<512x512xf32> -> vector<512x512xf32>
    %get3A_18 = arith.constant 0 : index
    %get3A_19 = arith.constant 0 : index
    %get3A_20 = vector.load %arg6[%get3A_18, %get3A_19] : memref<1x512xf32, #tpu.memory_space<vmem>>, vector<1x512xf32>
    %add3A_21 = vector.broadcast %get3A_20 : vector<1x512xf32> to vector<512x512xf32>
    %add3A_22 = arith.addf %dot_general3A_17, %add3A_21 : vector<512x512xf32>
    %max3A_23 = arith.constant 0.000000e+00 : f32
    %max3A_24 = vector.broadcast %max3A_23 : f32 to vector<512x512xf32>
    %max3A_25 = arith.maximumf %add3A_22, %max3A_24 : vector<512x512xf32>
    %convert_element_type3A_26 = arith.truncf %max3A_25 : vector<512x512xf32> to vector<512x512xbf16>
    %get3A_27 = arith.constant 0 : index
    %get3A_28 = arith.constant 0 : index
    %get3A_29 = vector.load %arg7[%get3A_27, %get3A_28] : memref<512x256xbf16, #tpu.memory_space<vmem>>, vector<512x256xbf16>
    %dot_general3A_30 = arith.constant dense<0.000000e+00> : vector<512x256xf32>
    %dot_general3A_31 = tpu.matmul %convert_element_type3A_26, %get3A_29, %dot_general3A_30 {dimension_numbers = #tpu.dot_dimension_numbers<[1], [0], [0], [1], [0, 0, 1, 1], [], []>, transpose_lhs_hint = false} : vector<512x512xbf16>, vector<512x256xbf16>, vector<512x256xf32> -> vector<512x256xf32>
    %get3A_32 = arith.constant 0 : index
    %get3A_33 = arith.constant 0 : index
    %get3A_34 = vector.load %arg8[%get3A_32, %get3A_33] : memref<1x256xf32, #tpu.memory_space<vmem>>, vector<1x256xf32>
    %add3A_35 = vector.broadcast %get3A_34 : vector<1x256xf32> to vector<512x256xf32>
    %add3A_36 = arith.addf %dot_general3A_31, %add3A_35 : vector<512x256xf32>
    %max3A_37 = arith.constant 0.000000e+00 : f32
    %max3A_38 = vector.broadcast %max3A_37 : f32 to vector<512x256xf32>
    %max3A_39 = arith.maximumf %add3A_36, %max3A_38 : vector<512x256xf32>
    %get3A_40 = arith.constant 0 : index
    %get3A_41 = arith.constant 0 : index
    %get3A_42 = vector.load %arg1[%get3A_40, %get3A_41] : memref<512x1024xf32, #tpu.memory_space<vmem>>, vector<512x1024xf32>
    %get3A_43 = arith.constant 0 : index
    %get3A_44 = arith.constant 0 : index
    %get3A_45 = vector.load %arg9[%get3A_43, %get3A_44] : memref<1024x1xf32, #tpu.memory_space<vmem>>, vector<1024x1xf32>
    %dot_general3A_46 = arith.constant dense<0.000000e+00> : vector<512x1xf32>
    %dot_general3A_47 = tpu.matmul %get3A_42, %get3A_45, %dot_general3A_46 {dimension_numbers = #tpu.dot_dimension_numbers<[1], [0], [0], [1], [0, 0, 1, 1], [], []>, transpose_lhs_hint = false} : vector<512x1024xf32>, vector<1024x1xf32>, vector<512x1xf32> -> vector<512x1xf32>
    %get3A_48 = arith.constant 0 : index
    %get3A_49 = arith.constant 0 : index
    %get3A_50 = vector.load %arg10[%get3A_48, %get3A_49] : memref<256x1xf32, #tpu.memory_space<vmem>>, vector<256x1xf32>
    %dot_general3A_51 = arith.constant dense<0.000000e+00> : vector<512x1xf32>
    %dot_general3A_52 = tpu.matmul %max3A_39, %get3A_50, %dot_general3A_51 {dimension_numbers = #tpu.dot_dimension_numbers<[1], [0], [0], [1], [0, 0, 1, 1], [], []>, transpose_lhs_hint = false} : vector<512x256xf32>, vector<256x1xf32>, vector<512x1xf32> -> vector<512x1xf32>
    %add3A_53 = arith.addf %dot_general3A_47, %dot_general3A_52 : vector<512x1xf32>
    %get3A_54 = arith.constant 0 : index
    %get3A_55 = arith.constant 0 : index
    %get3A_56 = vector.load %arg11[%get3A_54, %get3A_55] : memref<1x1xf32, #tpu.memory_space<vmem>>, vector<1x1xf32>
    %add3A_57 = vector.broadcast %get3A_56 : vector<1x1xf32> to vector<512x1xf32>
    %add3A_58 = arith.addf %add3A_53, %add3A_57 : vector<512x1xf32>
    %swap3A = arith.constant 0 : index
    %swap3A_59 = arith.constant 0 : index
    %swap3A_60 = vector.load %arg12[%swap3A, %swap3A_59] : memref<512x1xf32, #tpu.memory_space<vmem>>, vector<512x1xf32>
    tpu.vector_store %arg12[%swap3A, %swap3A_59], %add3A_58 {strides = array<i32>} : memref<512x1xf32, #tpu.memory_space<vmem>>, vector<512x1xf32>,
    return
  }
  func.func @transform_0(%arg0: i32) -> (i32, i32) {
    %add3A = arith.constant 4 : i32
    %add3A_0 = arith.addi %arg0, %add3A : i32
    %c0_i32 = arith.constant 0 : i32
    %c0_i32_1 = arith.constant 0 : i32
    return %add3A_0, %c0_i32 : i32, i32
  }
  func.func @transform_1(%arg0: i32) -> (i32, i32) {
    %c0_i32 = arith.constant 0 : i32
    %c0_i32_0 = arith.constant 0 : i32
    return %arg0, %c0_i32 : i32, i32
  }
  func.func @transform_2(%arg0: i32) -> (i32, i32) {
    %c0_i32 = arith.constant 0 : i32
    %c0_i32_0 = arith.constant 0 : i32
    %c0_i32_1 = arith.constant 0 : i32
    return %c0_i32, %c0_i32_0 : i32, i32
  }
  func.func @transform_3(%arg0: i32) -> (i32, i32) {
    %c0_i32 = arith.constant 0 : i32
    %c0_i32_0 = arith.constant 0 : i32
    %c0_i32_1 = arith.constant 0 : i32
    return %c0_i32, %c0_i32_0 : i32, i32
  }
  func.func @transform_4(%arg0: i32) -> (i32, i32) {
    %c0_i32 = arith.constant 0 : i32
    %c0_i32_0 = arith.constant 0 : i32
    %c0_i32_1 = arith.constant 0 : i32
    return %c0_i32, %c0_i32_0 : i32, i32
  }
  func.func @transform_5(%arg0: i32) -> (i32, i32) {
    %c0_i32 = arith.constant 0 : i32
    %c0_i32_0 = arith.constant 0 : i32
    %c0_i32_1 = arith.constant 0 : i32
    return %c0_i32, %c0_i32_0 : i32, i32
  }
  func.func @transform_6(%arg0: i32) -> (i32, i32) {
    %c0_i32 = arith.constant 0 : i32
    %c0_i32_0 = arith.constant 0 : i32
    %c0_i32_1 = arith.constant 0 : i32
    return %c0_i32, %c0_i32_0 : i32, i32
  }
  func.func @transform_7(%arg0: i32) -> (i32, i32) {
    %c0_i32 = arith.constant 0 : i32
    %c0_i32_0 = arith.constant 0 : i32
    %c0_i32_1 = arith.constant 0 : i32
    return %c0_i32, %c0_i32_0 : i32, i32
  }
  func.func @transform_8(%arg0: i32) -> (i32, i32) {
    %c0_i32 = arith.constant 0 : i32
    %c0_i32_0 = arith.constant 0 : i32
    %c0_i32_1 = arith.constant 0 : i32
    return %c0_i32, %c0_i32_0 : i32, i32
  }
  func.func @transform_9(%arg0: i32) -> (i32, i32) {
    %c0_i32 = arith.constant 0 : i32
    %c0_i32_0 = arith.constant 0 : i32
    %c0_i32_1 = arith.constant 0 : i32
    return %c0_i32, %c0_i32_0 : i32, i32
  }
  func.func @transform_10(%arg0: i32) -> (i32, i32) {
    %c0_i32 = arith.constant 0 : i32
    %c0_i32_0 = arith.constant 0 : i32
    %c0_i32_1 = arith.constant 0 : i32
    return %c0_i32, %c0_i32_0 : i32, i32
  }
  func.func @transform_11(%arg0: i32) -> (i32, i32) {
    %c0_i32 = arith.constant 0 : i32
    %c0_i32_0 = arith.constant 0 : i32
    return %arg0, %c0_i32 : i32, i32
  }
}

module attributes {stable_mosaic.version = 14 : i64} {
  func.func @_mlp_body(%arg0: i32, %arg1: memref<512x1024xf32, #tpu.memory_space<vmem>>, %arg2: memref<512x3328xf32, #tpu.memory_space<vmem>>, %arg3: memref<3328x1024xbf16, #tpu.memory_space<vmem>>, %arg4: memref<1x1024xf32, #tpu.memory_space<vmem>>, %arg5: memref<1024x512xbf16, #tpu.memory_space<vmem>>, %arg6: memref<1x512xf32, #tpu.memory_space<vmem>>, %arg7: memref<512x256xbf16, #tpu.memory_space<vmem>>, %arg8: memref<1x256xf32, #tpu.memory_space<vmem>>, %arg9: memref<1024x1xf32, #tpu.memory_space<vmem>>, %arg10: memref<256x1xf32, #tpu.memory_space<vmem>>, %arg11: memref<1x1xf32, #tpu.memory_space<vmem>>, %arg12: memref<512x1xf32, #tpu.memory_space<vmem>>) attributes {dimension_semantics = [#tpu.dimension_semantics<arbitrary>], iteration_bounds = array<i64: 4>, scalar_prefetch = 0 : i64, scratch_operands = 0 : i64, tpu.core_type = #tpu.core_type<tc>, window_params = [{transform_indices = @transform_0, window_bounds = array<i64: 512, 1024>}, {transform_indices = @transform_1, window_bounds = array<i64: 512, 3328>}, {pipeline_mode = #tpu.pipeline_mode<synchronous>, transform_indices = @transform_2, window_bounds = array<i64: 3328, 1024>}, {pipeline_mode = #tpu.pipeline_mode<synchronous>, transform_indices = @transform_3, window_bounds = array<i64: 1, 1024>}, {pipeline_mode = #tpu.pipeline_mode<synchronous>, transform_indices = @transform_4, window_bounds = array<i64: 1024, 512>}, {pipeline_mode = #tpu.pipeline_mode<synchronous>, transform_indices = @transform_5, window_bounds = array<i64: 1, 512>}, {pipeline_mode = #tpu.pipeline_mode<synchronous>, transform_indices = @transform_6, window_bounds = array<i64: 512, 256>}, {pipeline_mode = #tpu.pipeline_mode<synchronous>, transform_indices = @transform_7, window_bounds = array<i64: 1, 256>}, {pipeline_mode = #tpu.pipeline_mode<synchronous>, transform_indices = @transform_8, window_bounds = array<i64: 1024, 1>}, {pipeline_mode = #tpu.pipeline_mode<synchronous>, transform_indices = @transform_9, window_bounds = array<i64: 256, 1>}, {pipeline_mode = #tpu.pipeline_mode<synchronous>, transform_indices = @transform_10, window_bounds = array<i64: 1, 1>}, {transform_indices = @transform_11, window_bounds = array<i64: 512, 1>}]} {
    %get3A = arith.constant 0 : index
    %get3A_0 = arith.constant 0 : index
    %get3A_1 = vector.load %arg2[%get3A, %get3A_0] : memref<512x3328xf32, #tpu.memory_space<vmem>>, vector<512x3328xf32>
    %convert_element_type3A = arith.truncf %get3A_1 : vector<512x3328xf32> to vector<512x3328xbf16>
    %get3A_2 = arith.constant 0 : index
    %get3A_3 = arith.constant 0 : index
    %get3A_4 = vector.load %arg3[%get3A_2, %get3A_3] : memref<3328x1024xbf16, #tpu.memory_space<vmem>>, vector<3328x1024xbf16>
    %dot_general3A = arith.constant dense<0.000000e+00> : vector<512x1024xf32>
    %dot_general3A_5 = tpu.matmul %convert_element_type3A, %get3A_4, %dot_general3A {dimension_numbers = #tpu.dot_dimension_numbers<[1], [0], [0], [1], [0, 0, 1, 1], [], []>, transpose_lhs_hint = false} : vector<512x3328xbf16>, vector<3328x1024xbf16>, vector<512x1024xf32> -> vector<512x1024xf32>
    %get3A_6 = arith.constant 0 : index
    %get3A_7 = arith.constant 0 : index
    %get3A_8 = vector.load %arg4[%get3A_6, %get3A_7] : memref<1x1024xf32, #tpu.memory_space<vmem>>, vector<1x1024xf32>
    %add3A = vector.broadcast %get3A_8 : vector<1x1024xf32> to vector<512x1024xf32>
    %add3A_9 = arith.addf %dot_general3A_5, %add3A : vector<512x1024xf32>
    %max3A = arith.constant 0.000000e+00 : f32
    %max3A_10 = vector.broadcast %max3A : f32 to vector<512x1024xf32>
    %max3A_11 = arith.maximumf %add3A_9, %max3A_10 : vector<512x1024xf32>
    %convert_element_type3A_12 = arith.truncf %max3A_11 : vector<512x1024xf32> to vector<512x1024xbf16>
    %get3A_13 = arith.constant 0 : index
    %get3A_14 = arith.constant 0 : index
    %get3A_15 = vector.load %arg5[%get3A_13, %get3A_14] : memref<1024x512xbf16, #tpu.memory_space<vmem>>, vector<1024x512xbf16>
    %dot_general3A_16 = arith.constant dense<0.000000e+00> : vector<512x512xf32>
    %dot_general3A_17 = tpu.matmul %convert_element_type3A_12, %get3A_15, %dot_general3A_16 {dimension_numbers = #tpu.dot_dimension_numbers<[1], [0], [0], [1], [0, 0, 1, 1], [], []>, transpose_lhs_hint = false} : vector<512x1024xbf16>, vector<1024x512xbf16>, vector<512x512xf32> -> vector<512x512xf32>
    %get3A_18 = arith.constant 0 : index
    %get3A_19 = arith.constant 0 : index
    %get3A_20 = vector.load %arg6[%get3A_18, %get3A_19] : memref<1x512xf32, #tpu.memory_space<vmem>>, vector<1x512xf32>
    %add3A_21 = vector.broadcast %get3A_20 : vector<1x512xf32> to vector<512x512xf32>
    %add3A_22 = arith.addf %dot_general3A_17, %add3A_21 : vector<512x512xf32>
    %max3A_23 = arith.constant 0.000000e+00 : f32
    %max3A_24 = vector.broadcast %max3A_23 : f32 to vector<512x512xf32>
    %max3A_25 = arith.maximumf %add3A_22, %max3A_24 : vector<512x512xf32>
    %convert_element_type3A_26 = arith.truncf %max3A_25 : vector<512x512xf32> to vector<512x512xbf16>
    %get3A_27 = arith.constant 0 : index
    %get3A_28 = arith.constant 0 : index
    %get3A_29 = vector.load %arg7[%get3A_27, %get3A_28] : memref<512x256xbf16, #tpu.memory_space<vmem>>, vector<512x256xbf16>
    %dot_general3A_30 = arith.constant dense<0.000000e+00> : vector<512x256xf32>
    %dot_general3A_31 = tpu.matmul %convert_element_type3A_26, %get3A_29, %dot_general3A_30 {dimension_numbers = #tpu.dot_dimension_numbers<[1], [0], [0], [1], [0, 0, 1, 1], [], []>, transpose_lhs_hint = false} : vector<512x512xbf16>, vector<512x256xbf16>, vector<512x256xf32> -> vector<512x256xf32>
    %get3A_32 = arith.constant 0 : index
    %get3A_33 = arith.constant 0 : index
    %get3A_34 = vector.load %arg8[%get3A_32, %get3A_33] : memref<1x256xf32, #tpu.memory_space<vmem>>, vector<1x256xf32>
    %add3A_35 = vector.broadcast %get3A_34 : vector<1x256xf32> to vector<512x256xf32>
    %add3A_36 = arith.addf %dot_general3A_31, %add3A_35 : vector<512x256xf32>
    %max3A_37 = arith.constant 0.000000e+00 : f32
    %max3A_38 = vector.broadcast %max3A_37 : f32 to vector<512x256xf32>
    %max3A_39 = arith.maximumf %add3A_36, %max3A_38 : vector<512x256xf32>
    %get3A_40 = arith.constant 0 : index
    %get3A_41 = arith.constant 0 : index
    %get3A_42 = vector.load %arg1[%get3A_40, %get3A_41] : memref<512x1024xf32, #tpu.memory_space<vmem>>, vector<512x1024xf32>
    %get3A_43 = arith.constant 0 : index
    %get3A_44 = arith.constant 0 : index
    %get3A_45 = vector.load %arg9[%get3A_43, %get3A_44] : memref<1024x1xf32, #tpu.memory_space<vmem>>, vector<1024x1xf32>
    %dot_general3A_46 = arith.constant dense<0.000000e+00> : vector<512x1xf32>
    %dot_general3A_47 = tpu.matmul %get3A_42, %get3A_45, %dot_general3A_46 {dimension_numbers = #tpu.dot_dimension_numbers<[1], [0], [0], [1], [0, 0, 1, 1], [], []>, transpose_lhs_hint = false} : vector<512x1024xf32>, vector<1024x1xf32>, vector<512x1xf32> -> vector<512x1xf32>
    %get3A_48 = arith.constant 0 : index
    %get3A_49 = arith.constant 0 : index
    %get3A_50 = vector.load %arg10[%get3A_48, %get3A_49] : memref<256x1xf32, #tpu.memory_space<vmem>>, vector<256x1xf32>
    %dot_general3A_51 = arith.constant dense<0.000000e+00> : vector<512x1xf32>
    %dot_general3A_52 = tpu.matmul %max3A_39, %get3A_50, %dot_general3A_51 {dimension_numbers = #tpu.dot_dimension_numbers<[1], [0], [0], [1], [0, 0, 1, 1], [], []>, transpose_lhs_hint = false} : vector<512x256xf32>, vector<256x1xf32>, vector<512x1xf32> -> vector<512x1xf32>
    %add3A_53 = arith.addf %dot_general3A_47, %dot_general3A_52 : vector<512x1xf32>
    %get3A_54 = arith.constant 0 : index
    %get3A_55 = arith.constant 0 : index
    %get3A_56 = vector.load %arg11[%get3A_54, %get3A_55] : memref<1x1xf32, #tpu.memory_space<vmem>>, vector<1x1xf32>
    %add3A_57 = vector.broadcast %get3A_56 : vector<1x1xf32> to vector<512x1xf32>
    %add3A_58 = arith.addf %add3A_53, %add3A_57 : vector<512x1xf32>
    %swap3A = arith.constant 0 : index
    %swap3A_59 = arith.constant 0 : index
    %swap3A_60 = vector.load %arg12[%swap3A, %swap3A_59] : memref<512x1xf32, #tpu.memory_space<vmem>>, vector<512x1xf32>
    tpu.vector_store %arg12[%swap3A, %swap3A_59], %add3A_58 {strides = array<i32>} : memref<512x1xf32, #tpu.memory_space<vmem>>, vector<512x1xf32>,
    return
  }
  func.func @transform_0(%arg0: i32) -> (i32, i32) {
    %add3A = arith.constant 0 : i32
    %add3A_0 = arith.addi %arg0, %add3A : i32
    %c0_i32 = arith.constant 0 : i32
    %c0_i32_1 = arith.constant 0 : i32
    return %add3A_0, %c0_i32 : i32, i32
  }
  func.func @transform_1(%arg0: i32) -> (i32, i32) {
    %c0_i32 = arith.constant 0 : i32
    %c0_i32_0 = arith.constant 0 : i32
    return %arg0, %c0_i32 : i32, i32
  }
  func.func @transform_2(%arg0: i32) -> (i32, i32) {
    %c0_i32 = arith.constant 0 : i32
    %c0_i32_0 = arith.constant 0 : i32
    %c0_i32_1 = arith.constant 0 : i32
    return %c0_i32, %c0_i32_0 : i32, i32
  }
  func.func @transform_3(%arg0: i32) -> (i32, i32) {
    %c0_i32 = arith.constant 0 : i32
    %c0_i32_0 = arith.constant 0 : i32
    %c0_i32_1 = arith.constant 0 : i32
    return %c0_i32, %c0_i32_0 : i32, i32
  }
  func.func @transform_4(%arg0: i32) -> (i32, i32) {
    %c0_i32 = arith.constant 0 : i32
    %c0_i32_0 = arith.constant 0 : i32
    %c0_i32_1 = arith.constant 0 : i32
    return %c0_i32, %c0_i32_0 : i32, i32
  }
  func.func @transform_5(%arg0: i32) -> (i32, i32) {
    %c0_i32 = arith.constant 0 : i32
    %c0_i32_0 = arith.constant 0 : i32
    %c0_i32_1 = arith.constant 0 : i32
    return %c0_i32, %c0_i32_0 : i32, i32
  }
  func.func @transform_6(%arg0: i32) -> (i32, i32) {
    %c0_i32 = arith.constant 0 : i32
    %c0_i32_0 = arith.constant 0 : i32
    %c0_i32_1 = arith.constant 0 : i32
    return %c0_i32, %c0_i32_0 : i32, i32
  }
  func.func @transform_7(%arg0: i32) -> (i32, i32) {
    %c0_i32 = arith.constant 0 : i32
    %c0_i32_0 = arith.constant 0 : i32
    %c0_i32_1 = arith.constant 0 : i32
    return %c0_i32, %c0_i32_0 : i32, i32
  }
  func.func @transform_8(%arg0: i32) -> (i32, i32) {
    %c0_i32 = arith.constant 0 : i32
    %c0_i32_0 = arith.constant 0 : i32
    %c0_i32_1 = arith.constant 0 : i32
    return %c0_i32, %c0_i32_0 : i32, i32
  }
  func.func @transform_9(%arg0: i32) -> (i32, i32) {
    %c0_i32 = arith.constant 0 : i32
    %c0_i32_0 = arith.constant 0 : i32
    %c0_i32_1 = arith.constant 0 : i32
    return %c0_i32, %c0_i32_0 : i32, i32
  }
  func.func @transform_10(%arg0: i32) -> (i32, i32) {
    %c0_i32 = arith.constant 0 : i32
    %c0_i32_0 = arith.constant 0 : i32
    %c0_i32_1 = arith.constant 0 : i32
    return %c0_i32, %c0_i32_0 : i32, i32
  }
  func.func @transform_11(%arg0: i32) -> (i32, i32) {
    %c0_i32 = arith.constant 0 : i32
    %c0_i32_0 = arith.constant 0 : i32
    return %arg0, %c0_i32 : i32, i32
  }
}

</mosaic_0001>

<sc_bundles>
// kernel: kernel.6.cloned.1.call-start
scs
__scs_entry_jumppad:
0x0: {  	(pc) =	sbr.rel $0x88, $3  }
0x1: {  	(tag) =	ssettag $0x0;
	lr =	simm.s32 $0x1  }
0x2: {  	[smem:$0x3F96] =	sst lr;
	_ =	strace $0xD0000000  }
0x3: {  	_ = 	snop  }
0x4: {  	_ = 	snop  }
0x5: {  	_ = 	snop  }
0x6: {  	_ = 	snop  }
0x7: {  	_ = 	snop  }
__scs_overlays_trampoline_lowered:
0x8: {  	[smem:$0x3FA5] =	sst s0  }
0x9: {  	[smem:$0x3FA6] =	sst s1  }
0xa: {  	[smem:$0x3FA7] =	sst s2  }
0xb: {  	[smem:$0x3FA8] =	sst s3  }
0xc: {  	[smem:$0x3FA9] =	sst s4  }
0xd: {  	[smem:$0x3FAA] =	sst s5  }
0xe: {  	[smem:$0x3FAB] =	sst s6  }
0xf: {  	[smem:$0x3FAC] =	sst s7  }
0x10: {  	[smem:$0x3FAD] =	sst s8  }
0x11: {  	[smem:$0x3FAE] =	sst s9;
	s0 =	simm.s32 @!p0 $0x0  }
0x12: {  	s1 =	sld [smem:$0x3F94];
	s0 =	simm.s32 @p0 $0x1  }
0x13: {  	[smem:$0x3FAF] =	sst s0;
	s0 =	simm.s32 @!p1 $0x0  }
0x14: {  	s2 =	sld [smem:$0x3F93];
	s0 =	simm.s32 @p1 $0x1  }
0x15: {  	[smem:$0x3FB0] =	sst s0;
	s0 =	simm.s32 @!p2 $0x0  }
0x16: {  	s3 =	sld [smem:$0x3FDB];
	s0 =	simm.s32 @p2 $0x1  }
0x17: {  	s4 =	simm.s32 $0x1BF5;
	[smem:$0x3FB2] =	sst s0  }
0x18: {  	s0 =	sld [smem:$0x3F95];
	_ =	swait.ge [sflag:s4], $0x0  }
0x19: {  	s7 =	sld [smem:$0x3F96]  }
0x1a: {  	s8 =	sadd.s32 $0xFFFFE003, lr  }
0x1b: {  	s9 =	sadd.s32 $0xFFFFFEF7, lr;
	s5 =	simm.s32 $0xFFFFFFFF;
	p2 =	slt.u32 s8, $0xFFFFF086  }
0x1c: {  	p1 =	slt.u32 s9, $0xF7A;
	s5 =	simm.s32 @!p2 $0x0  }
0x1d: {  	s5 =	simm.s32 @p1 $0x1;
	p0 =	seq.s32 s7, s2  }
0x1e: {  	s7 =	smul.u32 @!p0 $0xF7A, s2;
	p2 =	seq.s32 @!p0 s5, $0x0  }
0x1f: {  	s9 =	smul.u32 $0xF7A, s1;
	s8 =	simm.s32 @!p0 $0x1BF5;
	p2 =	por !p2, p0  }
0x20: {  	[sflag:s8] =	ssyncset.s32 @!p0 $0xFFFFF086;
	s6 =	sadd.s32 @!p0 s3, s7;
	s7 =	simm.s32 @!p0 $0x108  }
0x21: {  	s3 =	sadd.s32 s3, s9;
	s6 =	sadd.s32 @!p0 $0x88, s6;
	s7 =	simm.s32 @p2 $0x1082  }
0x22: {  	[simem:s7], [sflag:s8] =	dma.local @!p0 [hbm:s6], $0xF7A  }
0x23: {  	s9 =	sor.u32 $0xD0000000, s2;
	s6 =	simm.s32 $0x108;
	_ =	swait.ge @!p0 [sflag:s8], $0x0  }
0x24: {  	s3 =	sadd.s32 $0x88, s3;
	s6 =	simm.s32 @!p1 $0x1082;
	[sflag:s4] =	ssyncset.s32 $0xFFFFF086  }
0x25: {  	[simem:s6], [sflag:s4] =	dma.local [hbm:s3], $0xF7A  }
0x26: {  	[smem:$0x3F96] =	sst s1;
	(tag) =	ssettag s2;
	_ =	strace s9  }
0x27: {  	s1 =	sld [smem:$0x3FA6]  }
0x28: {  	s2 =	sld [smem:$0x3FA7]  }
0x29: {  	s4 =	sld [smem:$0x3FA9]  }
0x2a: {  	p0 =	seq.s32 s5, $0x0;
	s5 =	sld [smem:$0x3FAA]  }
0x2b: {  	s6 =	sld [smem:$0x3FAB]  }
0x2c: {  	s7 =	sld [smem:$0x3FAC]  }
0x2d: {  	s3 =	simm.s32 $0x108;
	s8 =	sld [smem:$0x3FAD]  }
0x2e: {  	s3 =	simm.s32 @!p0 $0x1082;
	s9 =	sld [smem:$0x3FAE]  }
0x2f: {  	lr =	sadd.s32 s0, s3;
	s0 =	sld [smem:$0x3FA5]  }
0x30: {  	s3 =	sld [smem:$0x3FA8]  }
0x31: {  	[smem:$0x3FB1] =	sst s10  }
0x32: {  	s10 =	sld [smem:$0x3FAF];
	_ =	sdelay $0x3  }
0x33: {  	p0 =	seq.s32 s10, $0x1;
	s10 =	sld [smem:$0x3FB1];
	_ =	sdelay $0x3  }
0x34: {  	[smem:$0x3FB1] =	sst s10  }
0x35: {  	s10 =	sld [smem:$0x3FB0];
	_ =	sdelay $0x3  }
0x36: {  	p1 =	seq.s32 s10, $0x1;
	s10 =	sld [smem:$0x3FB1];
	_ =	sdelay $0x3  }
0x37: {  	[smem:$0x3FB1] =	sst s10  }
0x38: {  	s10 =	sld [smem:$0x3FB2]  }
0x39: {  	_ = 	snop;
	(pc) =	sbr.ind lr, $3  }
0x3a: {  	_ = 	snop  }
0x3b: {  	_ = 	snop  }
0x3c: {  	p2 =	seq.s32 s10, $0x1;
	s10 =	sld [smem:$0x3FB1]  }
0x3d: {  	_ =	shalt  }
0x3e: {  	_ =	shalt  }
0x3f: {  	_ =	shalt  }
0x40: {  	_ =	shalt  }
0x41: {  	_ =	shalt  }
0x42: {  	_ =	shalt  }
0x43: {  	_ =	shalt  }
0x44: {  	_ =	shalt  }
0x45: {  	_ =	shalt  }
0x46: {  	_ =	shalt  }
0x47: {  	_ =	shalt  }
0x48: {  	_ =	shalt  }
0x49: {  	_ =	shalt  }
0x4a: {  	_ =	shalt  }
0x4b: {  	_ =	shalt  }
0x4c: {  	_ =	shalt  }
0x4d: {  	_ =	shalt  }
0x4e: {  	_ =	shalt  }
0x4f: {  	_ =	shalt  }
0x50: {  	_ =	shalt  }
0x51: {  	_ =	shalt  }
0x52: {  	_ =	shalt  }
0x53: {  	_ =	shalt  }
0x54: {  	_ =	shalt  }
0x55: {  	_ =	shalt  }
0x56: {  	_ =	shalt  }
0x57: {  	_ =	shalt  }
0x58: {  	_ =	shalt  }
0x59: {  	_ =	shalt  }
0x5a: {  	_ =	shalt  }
0x5b: {  	_ =	shalt  }
0x5c: {  	_ =	shalt  }
0x5d: {  	_ =	shalt  }
0x5e: {  	_ =	shalt  }
0x5f: {  	_ =	shalt  }
0x60: {  	_ =	shalt  }
0x61: {  	_ =	shalt  }
0x62: {  	_ =	shalt  }
0x63: {  	_ =	shalt  }
0x64: {  	_ =	shalt  }
0x65: {  	_ =	shalt  }
0x66: {  	_ =	shalt  }
0x67: {  	_ =	shalt  }
0x68: {  	_ =	shalt  }
0x69: {  	_ =	shalt  }
0x6a: {  	_ =	shalt  }
0x6b: {  	_ =	shalt  }
0x6c: {  	_ =	shalt  }
0x6d: {  	_ =	shalt  }
0x6e: {  	_ =	shalt  }
0x6f: {  	_ =	shalt  }
0x70: {  	_ =	shalt  }
0x71: {  	_ =	shalt  }
0x72: {  	_ =	shalt  }
0x73: {  	_ =	shalt  }
0x74: {  	_ =	shalt  }
0x75: {  	_ =	shalt  }
0x76: {  	_ =	shalt  }
0x77: {  	_ =	shalt  }
0x78: {  	_ =	shalt  }
0x79: {  	_ =	shalt  }
0x7a: {  	_ =	shalt  }
0x7b: {  	_ =	shalt  }
0x7c: {  	_ =	shalt  }
0x7d: {  	_ =	shalt  }
0x7e: {  	_ =	shalt  }
0x7f: {  	_ =	shalt  }
0x80: {  	_ =	shalt  }
0x81: {  	_ =	shalt  }
0x82: {  	_ =	shalt  }
0x83: {  	_ =	shalt  }
0x84: {  	_ =	shalt  }
0x85: {  	_ =	shalt  }
0x86: {  	_ =	shalt  }
0x87: {  	_ =	shalt  }
.Lfunc_end0:
.L_simem_size_0:
called_computation_lowered:
.L_overlay_start_0:
0x88: {  	s2 =	sld [smem:$0x3FD9]  }
0x89: {  	s3 =	sld [smem:$0x3FFE];
	_ =	sdelay $0x1  }
0x8a: {  	s1 =	srdreg.scid  }
0x8b: {  	s0 =	sand.u32 $0x1, s1  }
0x8c: {  	s17 =	sshll.u32 s0, $0xA;
	s2 =	sadd.s32 s3, s2  }
0x8d: {  	s2 =	sadd.s32 s2, s17  }
0x8e: {  	[smem:$0x3FBD] =	sst s2  }
0x8f: {  	_ = 	snop  }
0x90: {  	s18 =	sld [smem:$0x3FC7];
	(tm) =	ssettm $0x1  }
0x91: {  	s19 =	sld [smem:$0x3FFB];
	_ =	sdelay $0x3  }
0x92: {  	_ =	strace s19  }
0x93: {  	s2 =	sld [smem:$0x3FFC];
	_ =	sdelay $0x3  }
0x94: {  	_ =	strace s2  }
0x95: {  	s2 =	sld [smem:$0x3FFD];
	_ =	sdelay $0x3  }
0x96: {  	_ =	strace s2  }
0x97: {  	_ =	strace $0x8FFFFFFF  }
0x98: {  	s20 =	sld [smem:$0x3FDB];
	_ =	sdelay $0x1  }
0x99: {  	s4 =	simm.s32 $_scs_section_size  }
0x9a: {  	s5 =	simm.s32 $_size__tile_overlayer_lowered;
	s6 =	simm.s32 $_tile_overlayer_lowered  }
0x9b: {  	s7 =	simm.s32 $0x1BFF;
	s21 =	sshll.u32 s6, $0x1;
	s4 =	sadd.s32 s4, s20  }
0x9c: {  	s22 =	simm.s32 $0x0;
	s5 =	sshll.u32 s5, $0x1;
	s6 =	sadd.s32 s21, s4  }
0x9d: {  	[timem:s22], [sflag:s7] =	dma.local [hbm:s6], s5  }
0x9e: {  	_ =	swait.ge [sflag:s7], s5  }
0x9f: {  	s5 =	ssub.s32 $0x0, s5;
	[sflag:s7] =	ssyncset.done $0x0  }
0xa0: {  	[sflag:s7] =	ssyncadd.s32 s5;
	_ =	sdelay $0x1  }
0xa1: {  	s23 =	simm.s32 $0x1B8B  }
0xa2: {  	_ =	swait.ge [sflag:s23], $0x1  }
0xa3: {  	[sflag:s23] =	ssyncset.done $0x0  }
0xa4: {  	[sflag:s23] =	ssyncadd.s32 $0xFFFFFFFF  }
0xa5: {  	s5 =	sld [smem:$0x0]  }
0xa6: {  	s6 =	sand.u32 $0xFFFFFFFE, s1  }
0xa7: {  	p0 =	sne.s32 s1, s6  }
0xa8: {  	s6 =	sshll.u32 @p0 s6, $0xE  }
0xa9: {  	s6 =	sadd.s32 @p0 $0x11B8D, s6;
	s7 =	sshll.u32 @p0 s5, $0x11  }
0xaa: {  	s6 =	sor.u32 @p0 s7, s6  }
0xab: {  	[sflag:s6] =	ssyncadd.remote.s32 @p0 $0x1;
	_ =	sdelay $0x1  }
0xac: {  	s6 =	simm.s32 @p0 $0x1B8D  }
0xad: {  	_ =	swait.eq @p0 [sflag:s6], $0x1  }
0xae: {  	[sflag:s6] =	ssyncadd.s32 @p0 $0xFFFFFFFF  }
0xaf: {  	s7 =	sshll.u32 @!p0 s1, $0xE  }
0xb0: {  	s7 =	sor.u32 @!p0 $0x4000, s7;
	s6 =	simm.s32 @!p0 $0x1B8D  }
0xb1: {  	s5 =	sshll.u32 @!p0 s5, $0x11;
	s7 =	sadd.s32 @!p0 $0x11B8D, s7;
	_ =	swait.eq @!p0 [sflag:s6], $0x1  }
0xb2: {  	s5 =	sor.u32 @!p0 s5, s7;
	[sflag:s6] =	ssyncadd.s32 @!p0 $0xFFFFFFFF  }
0xb3: {  	s25 =	simm.s32 $0x1B8E;
	s24 =	sld [smem:$0x3FFE];
	[sflag:s5] =	ssyncadd.remote.s32 @!p0 $0x1  }
0xb4: {  	s26 =	simm.s32 $execute0_lowered;
	[smem:$0x3FD2] =	sst s25  }
0xb5: {  	s6 =	sshll.u32 s26, $0x1;
	_ =	strace $0x80000049;
	[dreg:$0x1] =	wrdreg $0xFFFFFFFF  }
0xb6: {  	s28 =	simm.s32 $_size_execute0_lowered;
	s4 =	sadd.s32 s4, s6;
	[dreg:$0x0] =	wrdreg $0x0  }
0xb7: {  	s6 =	sshll.u32 s28, $0x1;
	[dreg:$0x2] =	wrdreg s4  }
0xb8: {  	[dreg:$0x3] =	wrdreg s6  }
0xb9: {  	[dreg:$0x4] =	wrdreg $0xC0  }
0xba: {  	_ =	task [dreg:s22], $0x5FFFF  }
0xbb: {  	[dreg:$0x1] =	wrdreg $0xFFFFFFFF  }
0xbc: {  	[dreg:$0x0] =	wrdreg $0x60  }
0xbd: {  	[dreg:$0x2] =	wrdreg s18  }
0xbe: {  	[dreg:$0x3] =	wrdreg s24  }
0xbf: {  	[dreg:$0x4] =	wrdreg $0x9  }
0xc0: {  	_ =	task.clear_ibuf [dreg:s22], $0x5FFFF;
	_ =	strace $0x90000049  }
0xc1: {  	s29 =	simm.s32 $0x9;
	_ =	strace $0x8000004B  }
0xc2: {  	_ =	swait.ge [sflag:s29], $0x1  }
0xc3: {  	[sflag:s29] =	ssyncadd.s32 $0xFFFFFFFF  }
0xc4: {  	_ =	strace $0x9000004B  }
0xc5: {  	_ =	sfence  }
0xc6: {  	s30 =	sld [smem:$0x0];
	_ =	sdelay $0x2  }
0xc7: {  	s31 =	sshll.u32 s1, $0xD;
	s1 =	sshrl.u32 s1, $0x2  }
0xc8: {  	s4 =	sand.u32 $0x4000, s31;
	s1 =	sadd.s32 s1, s30  }
0xc9: {  	s0 =	sor.u32 s4, s0;
	s1 =	sshll.u32 s1, $0x11  }
0xca: {  	s0 =	sor.u32 s1, s0  }
0xcb: {  	s0 =	sadd.s32 $0x8F2B, s0  }
0xcc: {  	[sflag:s0] =	ssyncadd.remote.s32 $0x1  }
0xcd: {  	_ =	sfence.sel $0xFFFF  }
0xce: {  	[dreg:$0x0] =	wrdreg $0xFFFFFFFF;
	(pc) =	sbr.abs _section_cstart, $3  }
0xcf: {  	[dreg:$0x1] =	wrdreg $0xFFFFFFFF  }
0xd0: {  	_ =	task.clear_ibuf [dreg:s22], $0x2FFFF;
	_ =	strace $0x9FFFFFFF  }
0xd1: {  	(tm) =	ssettm $0x7FFFFFFF  }
tec
execute0_lowered:
.L_overlay_start_1:
0x0: {  	(tag) =	ssettag $0x1  }
0x1: {  	s2 =	rddreg [dreg:$0x0]  }
0x2: {  	s0 =	rddreg [dreg:$0x1]  }
0x3: {  	s4 =	srdreg.scid;
	s1 =	stileid.u32;
	s3 =	simm.s32 $0x0  }
0x4: {  	s17 =	simm.s32 $0x80;
	s18 =	simm.s32 $0x800;
	s19 =	simm.s32 $0x4800  }
0x5: {  	s20 =	simm.s32 $0x1;
	s21 =	simm.s32 $0x400;
	s22 =	simm.s32 $0x6800  }
0x6: {  	s23 =	simm.s32 $0x2800;
	s24 =	simm.s32 $0x2;
	s25 =	simm.s32 $0x3  }
0x7: {  	s26 =	simm.s32 $0x4;
	s29 =	simm.s32 $0x0;
	s4 =	sand.u32 $0x1, s4  }
0x8: {  	s5 =	sshll.u32 s1, $0x1;
	[smem:$0x7FF] =	sst s3;
	s9 =	smul.u32 $0x68000, s1  }
0x9: {  	s5 =	sor.u32 s4, s5;
	_ =	strace $0x8000004A;
	s10 =	smul.u32 $0x34000, s4  }
0xa: {  	s7 =	ssub.s32 $0x2, s4;
	s6 =	sshll.u32 s5, $0x8;
	s5 =	smul.u32 $0x34000, s5  }
0xb: {  	s8 =	sshrl.u32 s7, $0x1;
	s6 =	sadd.s32 s6, s0;
	s0 =	sadd.s32 $0xD6A00, s0  }
0xc: {  	s7 =	ssub.s32 s7, s8;
	s14 =	sadd.s32 s10, s9;
	s5 =	sshrl.u32 s5, $0x3  }
0xd: {  	s4 =	sadd.s32 $0xD4A00, s6;
	s12 =	sor.u32 $0x800, s14;
	s13 =	sor.u32 $0xC00, s14  }
0xe: {  	s15 =	sor.u32 $0x400, s14;
	s16 =	sshrl.u32 s14, $0x3;
	s11 =	sadd.s32 s0, s5  }
0xf: {  	s5 =	smax.u32 s7, $0x1;
	s12 =	sshrl.u32 s12, $0x3;
	s13 =	sshrl.u32 s13, $0x3  }
0x10: {  	s15 =	sshrl.u32 s15, $0x3;
	s6 =	sadd.s32 $0xC00, s11;
	s7 =	sadd.s32 $0xC80, s11  }
0x11: {  	s8 =	sadd.s32 $0xA00, s11;
	s9 =	sadd.s32 $0xA80, s11;
	s10 =	sadd.s32 $0xB00, s11  }
0x12: {  	s11 =	sadd.s32 $0xB80, s11;
	s12 =	sadd.s32 s12, s0;
	s13 =	sadd.s32 s13, s0  }
0x13: {  	s14 =	sadd.s32 s15, s0;
	s15 =	sadd.s32 s16, s0;
	s16 =	simm.s32 $0x5  }
.LBB2_1:
0x14: {  	[tilespmem:s3], [sflag:$0x5] =	stream.linear.gather [hbm4b:s4+s3], $0x680, $0x38;
	[tilespmem:$0x8800] =	vst v63  }
0x15: {  	_ =	swait.ge [sflag:s16], $0x680  }
0x16: {  	[sflag:s16] =	ssyncset.done $0x0  }
0x17: {  	[sflag:s16] =	ssyncadd.s32 $0xFFFFF980  }
0x18: {  	[tilespmem:s18], [sflag:$0x1] =	stream.indirect.gather [hbm4b:s2+s17], $0x80, s3, s17, $0xb8;
	[tilespmem:$0x8800] =	vst v63  }
0x19: {  	_ = 	snop  }
0x1a: {  	[tilespmem:s19], [sflag:$0x2] =	stream.indirect.gather [hbm4b:s2+s17], $0x80, s17, s17, $0xb8;
	[tilespmem:$0x8800] =	vst v63  }
0x1b: {  	_ =	swait.ge [sflag:s20], $0x4000  }
0x1c: {  	[sflag:s20] =	ssyncset.done $0x0  }
0x1d: {  	s0 =	sadd.s32 $0x0, s15;
	[sflag:s20] =	ssyncadd.s32 $0xFFFFC000  }
0x1e: {  	[hbm4b:s0+s21] =	stream.strided.scatter [tilespmem:s18], [sflag:$0x3], $0x2000, s22, s21, $0x38;
	[tilespmem:$0x8800] =	vst v63  }
0x1f: {  	s1 =	sadd.s32 $0x0, s14  }
0x20: {  	[hbm4b:s1+s21] =	stream.strided.scatter [tilespmem:s23], [sflag:$0x3], $0x2000, s22, s21, $0x38;
	[tilespmem:$0x8800] =	vst v63  }
0x21: {  	_ =	swait.ge [sflag:s24], $0x4000  }
0x22: {  	[sflag:s24] =	ssyncset.done $0x0  }
0x23: {  	s28 =	sadd.s32 $0x0, s12;
	[sflag:s24] =	ssyncadd.s32 $0xFFFFC000  }
0x24: {  	[hbm4b:s28+s21] =	stream.strided.scatter [tilespmem:s19], [sflag:$0x4], $0x2000, s22, s21, $0x38;
	[tilespmem:$0x8800] =	vst v63  }
0x25: {  	s1 =	sadd.s32 $0x0, s13  }
0x26: {  	[hbm4b:s1+s21] =	stream.strided.scatter [tilespmem:s22], [sflag:$0x4], $0x2000, s22, s21, $0x38;
	[tilespmem:$0x8800] =	vst v63  }
0x27: {  	_ =	swait.ge [sflag:s25], $0x2000  }
0x28: {  	[sflag:s25] =	ssyncset.done $0x0  }
0x29: {  	[sflag:s25] =	ssyncadd.s32 $0xFFFFE000  }
0x2a: {  	_ =	swait.ge [sflag:s25], $0x2000  }
0x2b: {  	[sflag:s25] =	ssyncset.done $0x0  }
0x2c: {  	s28 =	simm.s32 $0x100;
	[sflag:s25] =	ssyncadd.s32 $0xFFFFE000  }
0x2d: {  	[tilespmem:s18], [sflag:$0x1] =	stream.indirect.gather [hbm4b:s2+s17], $0x80, s28, s17, $0xb8;
	[tilespmem:$0x8800] =	vst v63  }
0x2e: {  	_ =	swait.ge [sflag:s26], $0x2000  }
0x2f: {  	[sflag:s26] =	ssyncset.done $0x0  }
0x30: {  	[sflag:s26] =	ssyncadd.s32 $0xFFFFE000  }
0x31: {  	_ =	swait.ge [sflag:s26], $0x2000  }
0x32: {  	s30 =	simm.s32 $0x180;
	[sflag:s26] =	ssyncset.done $0x0  }
0x33: {  	s31 =	simm.s32 $0x200;
	s0 =	simm.s32 $0x280;
	[sflag:s26] =	ssyncadd.s32 $0xFFFFE000  }
.LBB2_2:
0x34: {  	[tilespmem:s19], [sflag:$0x2] =	stream.indirect.gather [hbm4b:s2+s17], $0x80, s30, s17, $0xb8;
	[tilespmem:$0x8800] =	vst v63  }
0x35: {  	s1 =	smov.u32 s31;
	s30 =	smov.u32 s0  }
0x36: {  	p0 =	sne.s32 s31, $0x800;
	s31 =	sadd.s32 $0x200, s31;
	_ =	swait.ge [sflag:s20], $0x4000  }
0x37: {  	[sflag:s20] =	ssyncset.done $0x0  }
0x38: {  	s28 =	sadd.s32 s1, s15;
	[sflag:s20] =	ssyncadd.s32 $0xFFFFC000  }
0x39: {  	[hbm4b:s28+s21] =	stream.strided.scatter [tilespmem:s18], [sflag:$0x3], $0x2000, s22, s21, $0x38;
	[tilespmem:$0x8800] =	vst v63  }
0x3a: {  	s28 =	sadd.s32 s1, s14  }
0x3b: {  	[hbm4b:s28+s21] =	stream.strided.scatter [tilespmem:s23], [sflag:$0x3], $0x2000, s22, s21, $0x38;
	[tilespmem:$0x8800] =	vst v63  }
0x3c: {  	_ =	swait.ge [sflag:s24], $0x4000  }
0x3d: {  	[sflag:s24] =	ssyncset.done $0x0  }
0x3e: {  	s28 =	sadd.s32 s1, s12;
	[sflag:s24] =	ssyncadd.s32 $0xFFFFC000  }
0x3f: {  	[hbm4b:s28+s21] =	stream.strided.scatter [tilespmem:s19], [sflag:$0x4], $0x2000, s22, s21, $0x38;
	[tilespmem:$0x8800] =	vst v63  }
0x40: {  	s1 =	sadd.s32 s1, s13  }
0x41: {  	[hbm4b:s1+s21] =	stream.strided.scatter [tilespmem:s22], [sflag:$0x4], $0x2000, s22, s21, $0x38;
	[tilespmem:$0x8800] =	vst v63  }
0x42: {  	_ =	swait.ge [sflag:s25], $0x2000  }
0x43: {  	[sflag:s25] =	ssyncset.done $0x0  }
0x44: {  	[sflag:s25] =	ssyncadd.s32 $0xFFFFE000  }
0x45: {  	_ =	swait.ge [sflag:s25], $0x2000  }
0x46: {  	[sflag:s25] =	ssyncset.done $0x0  }
0x47: {  	s1 =	sadd.s32 $0xFFFFFF80, s0;
	[sflag:s25] =	ssyncadd.s32 $0xFFFFE000  }
0x48: {  	[tilespmem:s18], [sflag:$0x1] =	stream.indirect.gather [hbm4b:s2+s17], $0x80, s1, s17, $0xb8;
	[tilespmem:$0x8800] =	vst v63  }
0x49: {  	_ =	swait.ge [sflag:s26], $0x2000  }
.Ltmp0:
0x4a: {  	[sflag:s26] =	ssyncset.done $0x0;
	(pc) =	sbr.rel @p0 .LBB2_2-.Ltmp0, $4  }
0x4b: {  	[sflag:s26] =	ssyncadd.s32 $0xFFFFE000  }
0x4c: {  	_ =	swait.ge [sflag:s26], $0x2000  }
0x4d: {  	[sflag:s26] =	ssyncset.done $0x0  }
0x4e: {  	s0 =	sadd.s32 $0x100, s0;
	[sflag:s26] =	ssyncadd.s32 $0xFFFFE000  }
0x4f: {  	[tilespmem:s19], [sflag:$0x2] =	stream.indirect.gather [hbm4b:s2+s17], $0x80, s30, s17, $0xb8;
	[tilespmem:$0x8800] =	vst v63  }
0x50: {  	_ =	swait.ge [sflag:s20], $0x4000  }
0x51: {  	[sflag:s20] =	ssyncset.done $0x0  }
0x52: {  	[sflag:s20] =	ssyncadd.s32 $0xFFFFC000  }
0x53: {  	[hbm4b:s8+s21] =	stream.strided.scatter [tilespmem:s18], [sflag:$0x3], $0x2000, s22, s21, $0x38;
	[tilespmem:$0x8800] =	vst v63  }
0x54: {  	_ = 	snop  }
0x55: {  	[hbm4b:s9+s21] =	stream.strided.scatter [tilespmem:s23], [sflag:$0x3], $0x2000, s22, s21, $0x38;
	[tilespmem:$0x8800] =	vst v63  }
0x56: {  	_ =	swait.ge [sflag:s24], $0x4000  }
0x57: {  	[sflag:s24] =	ssyncset.done $0x0  }
0x58: {  	[sflag:s24] =	ssyncadd.s32 $0xFFFFC000  }
0x59: {  	[hbm4b:s10+s21] =	stream.strided.scatter [tilespmem:s19], [sflag:$0x4], $0x2000, s22, s21, $0x38;
	[tilespmem:$0x8800] =	vst v63  }
0x5a: {  	_ = 	snop  }
0x5b: {  	[hbm4b:s11+s21] =	stream.strided.scatter [tilespmem:s22], [sflag:$0x4], $0x2000, s22, s21, $0x38;
	[tilespmem:$0x8800] =	vst v63  }
0x5c: {  	_ =	swait.ge [sflag:s25], $0x2000  }
0x5d: {  	[sflag:s25] =	ssyncset.done $0x0  }
0x5e: {  	[sflag:s25] =	ssyncadd.s32 $0xFFFFE000  }
0x5f: {  	_ =	swait.ge [sflag:s25], $0x2000  }
0x60: {  	[sflag:s25] =	ssyncset.done $0x0  }
0x61: {  	s0 =	simm.s32 $0x600;
	[sflag:s25] =	ssyncadd.s32 $0xFFFFE000  }
0x62: {  	[tilespmem:s18], [sflag:$0x1] =	stream.indirect.gather [hbm4b:s2+s17], $0x80, s0, s17, $0xb8;
	[tilespmem:$0x8800] =	vst v63  }
0x63: {  	_ =	swait.ge [sflag:s26], $0x2000  }
0x64: {  	[sflag:s26] =	ssyncset.done $0x0  }
0x65: {  	[sflag:s26] =	ssyncadd.s32 $0xFFFFE000  }
0x66: {  	_ =	swait.ge [sflag:s26], $0x2000  }
0x67: {  	[sflag:s26] =	ssyncset.done $0x0  }
0x68: {  	[sflag:s26] =	ssyncadd.s32 $0xFFFFE000  }
0x69: {  	_ =	swait.ge [sflag:s20], $0x4000  }
0x6a: {  	[sflag:s20] =	ssyncset.done $0x0  }
0x6b: {  	[sflag:s20] =	ssyncadd.s32 $0xFFFFC000  }
0x6c: {  	[hbm4b:s6+s21] =	stream.strided.scatter [tilespmem:s18], [sflag:$0x3], $0x2000, s22, s21, $0x38;
	[tilespmem:$0x8800] =	vst v63  }
0x6d: {  	s29 =	sadd.s32 $0x1, s29  }
0x6e: {  	[hbm4b:s7+s21] =	stream.strided.scatter [tilespmem:s23], [sflag:$0x3], $0x2000, s22, s21, $0x38;
	[tilespmem:$0x8800] =	vst v63  }
0x6f: {  	p0 =	sne.s32 s29, s5;
	_ =	swait.ge [sflag:s25], $0x2000  }
.Ltmp1:
0x70: {  	[sflag:s25] =	ssyncset.done $0x0;
	(pc) =	sbr.rel @p0 .LBB2_1-.Ltmp1, $4  }
0x71: {  	[sflag:s25] =	ssyncadd.s32 $0xFFFFE000  }
0x72: {  	_ =	swait.ge [sflag:s25], $0x2000  }
0x73: {  	[sflag:s25] =	ssyncset.done $0x0  }
0x74: {  	[sflag:s25] =	ssyncadd.s32 $0xFFFFE000  }
0x75: {  	_ =	sfence.sel $0x180000  }
0x76: {  	[bflag:$0x0] =	sbarrier.arrive $0xFFFF  }
0x77: {  	_ =	strace $0x9000004A  }
0x78: {  	s0 =	stileid.u32;
	[bflag:$0x2] =	sbarrier.arrive $0xFFFF  }
0x79: {  	p0 =	sne.s32 s0, $0x0;
	s0 =	rddreg [dreg:$0x2]  }
0x7a: {  	s0 =	sadd.s32 @!p0 $0x100000, s0  }
0x7b: {  	[sflag:s0] =	ssyncadd.tile.s32 @!p0 $0x1;
	_ =	shalt  }
.Lfunc_end2:
_tile_overlayer_lowered:
.L_overlay_start_2:
0x7c: {  	(tag) =	ssettag $0x2  }
0x7d: {  	s0 =	rddreg [dreg:$0x0];
	s2 =	stileid.u32  }
0x7e: {  	s1 =	rddreg [dreg:$0x1];
	p0 =	sne.s32 s2, $0x0  }
0x7f: {  	s3 =	rddreg [dreg:$0x2];
	[bflag:$0x3] =	sbarrier.arrive $0xFFFF;
	s2 =	simm.s32 @!p0 $0x1C05  }
0x80: {  	[timem:s3], [sflag:s2] =	dma.local @!p0 [hbm:s0], s1  }
0x81: {  	s0 =	simm.s32 @!p0 $0x5  }
0x82: {  	_ =	swait.ge @!p0 [sflag:s0], s1  }
0x83: {  	s1 =	ssub.s32 @!p0 $0x0, s1;
	[sflag:s0] =	ssyncset.done @!p0 $0x0  }
0x84: {  	[sflag:s0] =	ssyncadd.s32 @!p0 s1  }
0x85: {  	[bflag:$0x3] =	sbarrier.arrive $0xFFFF  }
0x86: {  	_ =	shalt  }

// kernel: kernel.9.cloned.1.call-start
scs
__scs_entry_jumppad:
0x0: {  	(pc) =	sbr.rel $0x88, $3  }
0x1: {  	(tag) =	ssettag $0x0;
	lr =	simm.s32 $0x1  }
0x2: {  	[smem:$0x3F96] =	sst lr;
	_ =	strace $0xD0000000  }
0x3: {  	_ = 	snop  }
0x4: {  	_ = 	snop  }
0x5: {  	_ = 	snop  }
0x6: {  	_ = 	snop  }
0x7: {  	_ = 	snop  }
__scs_overlays_trampoline_lowered:
0x8: {  	[smem:$0x3FA5] =	sst s0  }
0x9: {  	[smem:$0x3FA6] =	sst s1  }
0xa: {  	[smem:$0x3FA7] =	sst s2  }
0xb: {  	[smem:$0x3FA8] =	sst s3  }
0xc: {  	[smem:$0x3FA9] =	sst s4  }
0xd: {  	[smem:$0x3FAA] =	sst s5  }
0xe: {  	[smem:$0x3FAB] =	sst s6  }
0xf: {  	[smem:$0x3FAC] =	sst s7  }
0x10: {  	[smem:$0x3FAD] =	sst s8  }
0x11: {  	[smem:$0x3FAE] =	sst s9;
	s0 =	simm.s32 @!p0 $0x0  }
0x12: {  	s1 =	sld [smem:$0x3F94];
	s0 =	simm.s32 @p0 $0x1  }
0x13: {  	[smem:$0x3FAF] =	sst s0;
	s0 =	simm.s32 @!p1 $0x0  }
0x14: {  	s2 =	sld [smem:$0x3F93];
	s0 =	simm.s32 @p1 $0x1  }
0x15: {  	[smem:$0x3FB0] =	sst s0;
	s0 =	simm.s32 @!p2 $0x0  }
0x16: {  	s3 =	sld [smem:$0x3FDB];
	s0 =	simm.s32 @p2 $0x1  }
0x17: {  	s4 =	simm.s32 $0x1BF5;
	[smem:$0x3FB2] =	sst s0  }
0x18: {  	s0 =	sld [smem:$0x3F95];
	_ =	swait.ge [sflag:s4], $0x0  }
0x19: {  	s7 =	sld [smem:$0x3F96]  }
0x1a: {  	s8 =	sadd.s32 $0xFFFFE003, lr  }
0x1b: {  	s9 =	sadd.s32 $0xFFFFFEF7, lr;
	s5 =	simm.s32 $0xFFFFFFFF;
	p2 =	slt.u32 s8, $0xFFFFF086  }
0x1c: {  	p1 =	slt.u32 s9, $0xF7A;
	s5 =	simm.s32 @!p2 $0x0  }
0x1d: {  	s5 =	simm.s32 @p1 $0x1;
	p0 =	seq.s32 s7, s2  }
0x1e: {  	s7 =	smul.u32 @!p0 $0xF7A, s2;
	p2 =	seq.s32 @!p0 s5, $0x0  }
0x1f: {  	s9 =	smul.u32 $0xF7A, s1;
	s8 =	simm.s32 @!p0 $0x1BF5;
	p2 =	por !p2, p0  }
0x20: {  	[sflag:s8] =	ssyncset.s32 @!p0 $0xFFFFF086;
	s6 =	sadd.s32 @!p0 s3, s7;
	s7 =	simm.s32 @!p0 $0x108  }
0x21: {  	s3 =	sadd.s32 s3, s9;
	s6 =	sadd.s32 @!p0 $0x88, s6;
	s7 =	simm.s32 @p2 $0x1082  }
0x22: {  	[simem:s7], [sflag:s8] =	dma.local @!p0 [hbm:s6], $0xF7A  }
0x23: {  	s9 =	sor.u32 $0xD0000000, s2;
	s6 =	simm.s32 $0x108;
	_ =	swait.ge @!p0 [sflag:s8], $0x0  }
0x24: {  	s3 =	sadd.s32 $0x88, s3;
	s6 =	simm.s32 @!p1 $0x1082;
	[sflag:s4] =	ssyncset.s32 $0xFFFFF086  }
0x25: {  	[simem:s6], [sflag:s4] =	dma.local [hbm:s3], $0xF7A  }
0x26: {  	[smem:$0x3F96] =	sst s1;
	(tag) =	ssettag s2;
	_ =	strace s9  }
0x27: {  	s1 =	sld [smem:$0x3FA6]  }
0x28: {  	s2 =	sld [smem:$0x3FA7]  }
0x29: {  	s4 =	sld [smem:$0x3FA9]  }
0x2a: {  	p0 =	seq.s32 s5, $0x0;
	s5 =	sld [smem:$0x3FAA]  }
0x2b: {  	s6 =	sld [smem:$0x3FAB]  }
0x2c: {  	s7 =	sld [smem:$0x3FAC]  }
0x2d: {  	s3 =	simm.s32 $0x108;
	s8 =	sld [smem:$0x3FAD]  }
0x2e: {  	s3 =	simm.s32 @!p0 $0x1082;
	s9 =	sld [smem:$0x3FAE]  }
0x2f: {  	lr =	sadd.s32 s0, s3;
	s0 =	sld [smem:$0x3FA5]  }
0x30: {  	s3 =	sld [smem:$0x3FA8]  }
0x31: {  	[smem:$0x3FB1] =	sst s10  }
0x32: {  	s10 =	sld [smem:$0x3FAF];
	_ =	sdelay $0x3  }
0x33: {  	p0 =	seq.s32 s10, $0x1;
	s10 =	sld [smem:$0x3FB1];
	_ =	sdelay $0x3  }
0x34: {  	[smem:$0x3FB1] =	sst s10  }
0x35: {  	s10 =	sld [smem:$0x3FB0];
	_ =	sdelay $0x3  }
0x36: {  	p1 =	seq.s32 s10, $0x1;
	s10 =	sld [smem:$0x3FB1];
	_ =	sdelay $0x3  }
0x37: {  	[smem:$0x3FB1] =	sst s10  }
0x38: {  	s10 =	sld [smem:$0x3FB2]  }
0x39: {  	_ = 	snop;
	(pc) =	sbr.ind lr, $3  }
0x3a: {  	_ = 	snop  }
0x3b: {  	_ = 	snop  }
0x3c: {  	p2 =	seq.s32 s10, $0x1;
	s10 =	sld [smem:$0x3FB1]  }
0x3d: {  	_ =	shalt  }
0x3e: {  	_ =	shalt  }
0x3f: {  	_ =	shalt  }
0x40: {  	_ =	shalt  }
0x41: {  	_ =	shalt  }
0x42: {  	_ =	shalt  }
0x43: {  	_ =	shalt  }
0x44: {  	_ =	shalt  }
0x45: {  	_ =	shalt  }
0x46: {  	_ =	shalt  }
0x47: {  	_ =	shalt  }
0x48: {  	_ =	shalt  }
0x49: {  	_ =	shalt  }
0x4a: {  	_ =	shalt  }
0x4b: {  	_ =	shalt  }
0x4c: {  	_ =	shalt  }
0x4d: {  	_ =	shalt  }
0x4e: {  	_ =	shalt  }
0x4f: {  	_ =	shalt  }
0x50: {  	_ =	shalt  }
0x51: {  	_ =	shalt  }
0x52: {  	_ =	shalt  }
0x53: {  	_ =	shalt  }
0x54: {  	_ =	shalt  }
0x55: {  	_ =	shalt  }
0x56: {  	_ =	shalt  }
0x57: {  	_ =	shalt  }
0x58: {  	_ =	shalt  }
0x59: {  	_ =	shalt  }
0x5a: {  	_ =	shalt  }
0x5b: {  	_ =	shalt  }
0x5c: {  	_ =	shalt  }
0x5d: {  	_ =	shalt  }
0x5e: {  	_ =	shalt  }
0x5f: {  	_ =	shalt  }
0x60: {  	_ =	shalt  }
0x61: {  	_ =	shalt  }
0x62: {  	_ =	shalt  }
0x63: {  	_ =	shalt  }
0x64: {  	_ =	shalt  }
0x65: {  	_ =	shalt  }
0x66: {  	_ =	shalt  }
0x67: {  	_ =	shalt  }
0x68: {  	_ =	shalt  }
0x69: {  	_ =	shalt  }
0x6a: {  	_ =	shalt  }
0x6b: {  	_ =	shalt  }
0x6c: {  	_ =	shalt  }
0x6d: {  	_ =	shalt  }
0x6e: {  	_ =	shalt  }
0x6f: {  	_ =	shalt  }
0x70: {  	_ =	shalt  }
0x71: {  	_ =	shalt  }
0x72: {  	_ =	shalt  }
0x73: {  	_ =	shalt  }
0x74: {  	_ =	shalt  }
0x75: {  	_ =	shalt  }
0x76: {  	_ =	shalt  }
0x77: {  	_ =	shalt  }
0x78: {  	_ =	shalt  }
0x79: {  	_ =	shalt  }
0x7a: {  	_ =	shalt  }
0x7b: {  	_ =	shalt  }
0x7c: {  	_ =	shalt  }
0x7d: {  	_ =	shalt  }
0x7e: {  	_ =	shalt  }
0x7f: {  	_ =	shalt  }
0x80: {  	_ =	shalt  }
0x81: {  	_ =	shalt  }
0x82: {  	_ =	shalt  }
0x83: {  	_ =	shalt  }
0x84: {  	_ =	shalt  }
0x85: {  	_ =	shalt  }
0x86: {  	_ =	shalt  }
0x87: {  	_ =	shalt  }
.Lfunc_end0:
.L_simem_size_0:
called_computation.1_lowered:
.L_overlay_start_0:
0x88: {  	s2 =	sld [smem:$0x3FD9]  }
0x89: {  	s3 =	sld [smem:$0x3FFE];
	_ =	sdelay $0x1  }
0x8a: {  	s1 =	srdreg.scid  }
0x8b: {  	s0 =	sand.u32 $0x1, s1  }
0x8c: {  	s17 =	sshll.u32 s0, $0xA;
	s2 =	sadd.s32 s3, s2  }
0x8d: {  	s2 =	sadd.s32 s2, s17  }
0x8e: {  	[smem:$0x3FBD] =	sst s2  }
0x8f: {  	_ = 	snop  }
0x90: {  	s2 =	sld [smem:$0x3FC7];
	(tm) =	ssettm $0x1  }
0x91: {  	s18 =	sld [smem:$0x3FFB];
	_ =	sdelay $0x3  }
0x92: {  	_ =	strace s18  }
0x93: {  	s3 =	sld [smem:$0x3FFC];
	_ =	sdelay $0x3  }
0x94: {  	_ =	strace s3  }
0x95: {  	s3 =	sld [smem:$0x3FFD];
	_ =	sdelay $0x3  }
0x96: {  	_ =	strace s3  }
0x97: {  	_ =	strace $0x8FFFFFFF  }
0x98: {  	s19 =	sld [smem:$0x3FDB];
	_ =	sdelay $0x1  }
0x99: {  	s4 =	simm.s32 $_scs_section_size  }
0x9a: {  	s5 =	simm.s32 $_size__tile_overlayer_lowered;
	s6 =	simm.s32 $_tile_overlayer_lowered  }
0x9b: {  	s22 =	simm.s32 $0x1BFF;
	s21 =	sshll.u32 s6, $0x1;
	s3 =	sadd.s32 s4, s19  }
0x9c: {  	s7 =	simm.s32 $0x0;
	s20 =	sshll.u32 s5, $0x1;
	s5 =	sadd.s32 s21, s3  }
0x9d: {  	[timem:s7], [sflag:s22] =	dma.local [hbm:s5], s20  }
0x9e: {  	_ =	swait.ge [sflag:s22], s20  }
0x9f: {  	s4 =	ssub.s32 $0x0, s20;
	[sflag:s22] =	ssyncset.done $0x0  }
0xa0: {  	[sflag:s22] =	ssyncadd.s32 s4;
	_ =	sdelay $0x1  }
0xa1: {  	s23 =	simm.s32 $0x1B8B  }
0xa2: {  	_ =	swait.ge [sflag:s23], $0x1  }
0xa3: {  	[sflag:s23] =	ssyncset.done $0x0  }
0xa4: {  	s25 =	simm.s32 $0x1B8E;
	s24 =	sld [smem:$0x3FFE];
	[sflag:s23] =	ssyncadd.s32 $0xFFFFFFFF  }
0xa5: {  	s26 =	simm.s32 $execute0_lowered;
	[smem:$0x3FD2] =	sst s25  }
0xa6: {  	s5 =	sshll.u32 s26, $0x1;
	_ =	strace $0x80000046;
	[dreg:$0x1] =	wrdreg $0xFFFFFFFF  }
0xa7: {  	s28 =	simm.s32 $_size_execute0_lowered;
	s3 =	sadd.s32 s3, s5;
	[dreg:$0x0] =	wrdreg $0x0  }
0xa8: {  	s5 =	sshll.u32 s28, $0x1;
	[dreg:$0x2] =	wrdreg s3  }
0xa9: {  	[dreg:$0x3] =	wrdreg s5  }
0xaa: {  	[dreg:$0x4] =	wrdreg $0xC0  }
0xab: {  	_ =	task [dreg:s7], $0x5FFFF  }
0xac: {  	[dreg:$0x1] =	wrdreg $0xFFFFFFFF  }
0xad: {  	[dreg:$0x0] =	wrdreg $0x60  }
0xae: {  	[dreg:$0x2] =	wrdreg s2  }
0xaf: {  	[dreg:$0x3] =	wrdreg s24  }
0xb0: {  	[dreg:$0x4] =	wrdreg $0xA  }
0xb1: {  	_ =	task.clear_ibuf [dreg:s7], $0x5FFFF;
	_ =	strace $0x90000046  }
0xb2: {  	s29 =	simm.s32 $0xA;
	_ =	strace $0x80000048  }
0xb3: {  	_ =	swait.ge [sflag:s29], $0x1  }
0xb4: {  	[sflag:s29] =	ssyncadd.s32 $0xFFFFFFFF  }
0xb5: {  	_ =	strace $0x90000048  }
0xb6: {  	_ =	sfence  }
0xb7: {  	s30 =	sld [smem:$0x0];
	_ =	sdelay $0x2  }
0xb8: {  	s31 =	sshll.u32 s1, $0xD;
	s1 =	sshrl.u32 s1, $0x2  }
0xb9: {  	s3 =	sand.u32 $0x4000, s31;
	s1 =	sadd.s32 s1, s30  }
0xba: {  	s0 =	sor.u32 s3, s0;
	s1 =	sshll.u32 s1, $0x11  }
0xbb: {  	s0 =	sor.u32 s1, s0  }
0xbc: {  	s0 =	sadd.s32 $0x8F2B, s0  }
0xbd: {  	[sflag:s0] =	ssyncadd.remote.s32 $0x1  }
0xbe: {  	_ =	sfence.sel $0xFFFF  }
0xbf: {  	[dreg:$0x0] =	wrdreg $0xFFFFFFFF;
	(pc) =	sbr.abs _section_cstart, $3  }
0xc0: {  	[dreg:$0x1] =	wrdreg $0xFFFFFFFF  }
0xc1: {  	_ =	task.clear_ibuf [dreg:s7], $0x2FFFF;
	_ =	strace $0x9FFFFFFF  }
0xc2: {  	(tm) =	ssettm $0x7FFFFFFF  }
0xc3: {  	_ =	shalt  }
tec
execute0_lowered:
.L_overlay_start_1:
0x0: {  	(tag) =	ssettag $0x1  }
0x1: {  	s2 =	rddreg [dreg:$0x0]  }
0x2: {  	s0 =	rddreg [dreg:$0x1]  }
0x3: {  	s4 =	srdreg.scid;
	s1 =	stileid.u32;
	s3 =	simm.s32 $0x0  }
0x4: {  	s17 =	simm.s32 $0x80;
	s18 =	simm.s32 $0x800;
	s19 =	simm.s32 $0x4800  }
0x5: {  	s20 =	simm.s32 $0x1;
	s21 =	simm.s32 $0x400;
	s22 =	simm.s32 $0x6800  }
0x6: {  	s23 =	simm.s32 $0x2800;
	s24 =	simm.s32 $0x2;
	s25 =	simm.s32 $0x3  }
0x7: {  	s26 =	simm.s32 $0x4;
	s29 =	simm.s32 $0x0;
	s4 =	sand.u32 $0x1, s4  }
0x8: {  	s5 =	sshll.u32 s1, $0x1;
	[smem:$0x7FF] =	sst s3;
	s9 =	smul.u32 $0x68000, s1  }
0x9: {  	s5 =	sor.u32 s4, s5;
	_ =	strace $0x80000047;
	s10 =	smul.u32 $0x34000, s4  }
0xa: {  	s7 =	ssub.s32 $0x2, s4;
	s6 =	sshll.u32 s5, $0x8;
	s5 =	smul.u32 $0x34000, s5  }
0xb: {  	s8 =	sshrl.u32 s7, $0x1;
	s6 =	sadd.s32 s6, s0;
	s0 =	sadd.s32 $0x4A00, s0  }
0xc: {  	s7 =	ssub.s32 s7, s8;
	s14 =	sadd.s32 s10, s9;
	s5 =	sshrl.u32 s5, $0x3  }
0xd: {  	s4 =	sadd.s32 $0x2A00, s6;
	s12 =	sor.u32 $0x800, s14;
	s13 =	sor.u32 $0xC00, s14  }
0xe: {  	s15 =	sor.u32 $0x400, s14;
	s16 =	sshrl.u32 s14, $0x3;
	s11 =	sadd.s32 s0, s5  }
0xf: {  	s5 =	smax.u32 s7, $0x1;
	s12 =	sshrl.u32 s12, $0x3;
	s13 =	sshrl.u32 s13, $0x3  }
0x10: {  	s15 =	sshrl.u32 s15, $0x3;
	s6 =	sadd.s32 $0xC00, s11;
	s7 =	sadd.s32 $0xC80, s11  }
0x11: {  	s8 =	sadd.s32 $0xA00, s11;
	s9 =	sadd.s32 $0xA80, s11;
	s10 =	sadd.s32 $0xB00, s11  }
0x12: {  	s11 =	sadd.s32 $0xB80, s11;
	s12 =	sadd.s32 s12, s0;
	s13 =	sadd.s32 s13, s0  }
0x13: {  	s14 =	sadd.s32 s15, s0;
	s15 =	sadd.s32 s16, s0;
	s16 =	simm.s32 $0x5  }
.LBB2_1:
0x14: {  	[tilespmem:s3], [sflag:$0x5] =	stream.linear.gather [hbm4b:s4+s3], $0x680, $0x38;
	[tilespmem:$0x8800] =	vst v63  }
0x15: {  	_ =	swait.ge [sflag:s16], $0x680  }
0x16: {  	[sflag:s16] =	ssyncset.done $0x0  }
0x17: {  	[sflag:s16] =	ssyncadd.s32 $0xFFFFF980  }
0x18: {  	[tilespmem:s18], [sflag:$0x1] =	stream.indirect.gather [hbm4b:s2+s17], $0x80, s3, s17, $0xb8;
	[tilespmem:$0x8800] =	vst v63  }
0x19: {  	_ = 	snop  }
0x1a: {  	[tilespmem:s19], [sflag:$0x2] =	stream.indirect.gather [hbm4b:s2+s17], $0x80, s17, s17, $0xb8;
	[tilespmem:$0x8800] =	vst v63  }
0x1b: {  	_ =	swait.ge [sflag:s20], $0x4000  }
0x1c: {  	[sflag:s20] =	ssyncset.done $0x0  }
0x1d: {  	s0 =	sadd.s32 $0x0, s15;
	[sflag:s20] =	ssyncadd.s32 $0xFFFFC000  }
0x1e: {  	[hbm4b:s0+s21] =	stream.strided.scatter [tilespmem:s18], [sflag:$0x3], $0x2000, s22, s21, $0x38;
	[tilespmem:$0x8800] =	vst v63  }
0x1f: {  	s1 =	sadd.s32 $0x0, s14  }
0x20: {  	[hbm4b:s1+s21] =	stream.strided.scatter [tilespmem:s23], [sflag:$0x3], $0x2000, s22, s21, $0x38;
	[tilespmem:$0x8800] =	vst v63  }
0x21: {  	_ =	swait.ge [sflag:s24], $0x4000  }
0x22: {  	[sflag:s24] =	ssyncset.done $0x0  }
0x23: {  	s28 =	sadd.s32 $0x0, s12;
	[sflag:s24] =	ssyncadd.s32 $0xFFFFC000  }
0x24: {  	[hbm4b:s28+s21] =	stream.strided.scatter [tilespmem:s19], [sflag:$0x4], $0x2000, s22, s21, $0x38;
	[tilespmem:$0x8800] =	vst v63  }
0x25: {  	s1 =	sadd.s32 $0x0, s13  }
0x26: {  	[hbm4b:s1+s21] =	stream.strided.scatter [tilespmem:s22], [sflag:$0x4], $0x2000, s22, s21, $0x38;
	[tilespmem:$0x8800] =	vst v63  }
0x27: {  	_ =	swait.ge [sflag:s25], $0x2000  }
0x28: {  	[sflag:s25] =	ssyncset.done $0x0  }
0x29: {  	[sflag:s25] =	ssyncadd.s32 $0xFFFFE000  }
0x2a: {  	_ =	swait.ge [sflag:s25], $0x2000  }
0x2b: {  	[sflag:s25] =	ssyncset.done $0x0  }
0x2c: {  	s28 =	simm.s32 $0x100;
	[sflag:s25] =	ssyncadd.s32 $0xFFFFE000  }
0x2d: {  	[tilespmem:s18], [sflag:$0x1] =	stream.indirect.gather [hbm4b:s2+s17], $0x80, s28, s17, $0xb8;
	[tilespmem:$0x8800] =	vst v63  }
0x2e: {  	_ =	swait.ge [sflag:s26], $0x2000  }
0x2f: {  	[sflag:s26] =	ssyncset.done $0x0  }
0x30: {  	[sflag:s26] =	ssyncadd.s32 $0xFFFFE000  }
0x31: {  	_ =	swait.ge [sflag:s26], $0x2000  }
0x32: {  	s30 =	simm.s32 $0x180;
	[sflag:s26] =	ssyncset.done $0x0  }
0x33: {  	s31 =	simm.s32 $0x200;
	s0 =	simm.s32 $0x280;
	[sflag:s26] =	ssyncadd.s32 $0xFFFFE000  }
.LBB2_2:
0x34: {  	[tilespmem:s19], [sflag:$0x2] =	stream.indirect.gather [hbm4b:s2+s17], $0x80, s30, s17, $0xb8;
	[tilespmem:$0x8800] =	vst v63  }
0x35: {  	s1 =	smov.u32 s31;
	s30 =	smov.u32 s0  }
0x36: {  	p0 =	sne.s32 s31, $0x800;
	s31 =	sadd.s32 $0x200, s31;
	_ =	swait.ge [sflag:s20], $0x4000  }
0x37: {  	[sflag:s20] =	ssyncset.done $0x0  }
0x38: {  	s28 =	sadd.s32 s1, s15;
	[sflag:s20] =	ssyncadd.s32 $0xFFFFC000  }
0x39: {  	[hbm4b:s28+s21] =	stream.strided.scatter [tilespmem:s18], [sflag:$0x3], $0x2000, s22, s21, $0x38;
	[tilespmem:$0x8800] =	vst v63  }
0x3a: {  	s28 =	sadd.s32 s1, s14  }
0x3b: {  	[hbm4b:s28+s21] =	stream.strided.scatter [tilespmem:s23], [sflag:$0x3], $0x2000, s22, s21, $0x38;
	[tilespmem:$0x8800] =	vst v63  }
0x3c: {  	_ =	swait.ge [sflag:s24], $0x4000  }
0x3d: {  	[sflag:s24] =	ssyncset.done $0x0  }
0x3e: {  	s28 =	sadd.s32 s1, s12;
	[sflag:s24] =	ssyncadd.s32 $0xFFFFC000  }
0x3f: {  	[hbm4b:s28+s21] =	stream.strided.scatter [tilespmem:s19], [sflag:$0x4], $0x2000, s22, s21, $0x38;
	[tilespmem:$0x8800] =	vst v63  }
0x40: {  	s1 =	sadd.s32 s1, s13  }
0x41: {  	[hbm4b:s1+s21] =	stream.strided.scatter [tilespmem:s22], [sflag:$0x4], $0x2000, s22, s21, $0x38;
	[tilespmem:$0x8800] =	vst v63  }
0x42: {  	_ =	swait.ge [sflag:s25], $0x2000  }
0x43: {  	[sflag:s25] =	ssyncset.done $0x0  }
0x44: {  	[sflag:s25] =	ssyncadd.s32 $0xFFFFE000  }
0x45: {  	_ =	swait.ge [sflag:s25], $0x2000  }
0x46: {  	[sflag:s25] =	ssyncset.done $0x0  }
0x47: {  	s1 =	sadd.s32 $0xFFFFFF80, s0;
	[sflag:s25] =	ssyncadd.s32 $0xFFFFE000  }
0x48: {  	[tilespmem:s18], [sflag:$0x1] =	stream.indirect.gather [hbm4b:s2+s17], $0x80, s1, s17, $0xb8;
	[tilespmem:$0x8800] =	vst v63  }
0x49: {  	_ =	swait.ge [sflag:s26], $0x2000  }
.Ltmp0:
0x4a: {  	[sflag:s26] =	ssyncset.done $0x0;
	(pc) =	sbr.rel @p0 .LBB2_2-.Ltmp0, $4  }
0x4b: {  	[sflag:s26] =	ssyncadd.s32 $0xFFFFE000  }
0x4c: {  	_ =	swait.ge [sflag:s26], $0x2000  }
0x4d: {  	[sflag:s26] =	ssyncset.done $0x0  }
0x4e: {  	s0 =	sadd.s32 $0x100, s0;
	[sflag:s26] =	ssyncadd.s32 $0xFFFFE000  }
0x4f: {  	[tilespmem:s19], [sflag:$0x2] =	stream.indirect.gather [hbm4b:s2+s17], $0x80, s30, s17, $0xb8;
	[tilespmem:$0x8800] =	vst v63  }
0x50: {  	_ =	swait.ge [sflag:s20], $0x4000  }
0x51: {  	[sflag:s20] =	ssyncset.done $0x0  }
0x52: {  	[sflag:s20] =	ssyncadd.s32 $0xFFFFC000  }
0x53: {  	[hbm4b:s8+s21] =	stream.strided.scatter [tilespmem:s18], [sflag:$0x3], $0x2000, s22, s21, $0x38;
	[tilespmem:$0x8800] =	vst v63  }
0x54: {  	_ = 	snop  }
0x55: {  	[hbm4b:s9+s21] =	stream.strided.scatter [tilespmem:s23], [sflag:$0x3], $0x2000, s22, s21, $0x38;
	[tilespmem:$0x8800] =	vst v63  }
0x56: {  	_ =	swait.ge [sflag:s24], $0x4000  }
0x57: {  	[sflag:s24] =	ssyncset.done $0x0  }
0x58: {  	[sflag:s24] =	ssyncadd.s32 $0xFFFFC000  }
0x59: {  	[hbm4b:s10+s21] =	stream.strided.scatter [tilespmem:s19], [sflag:$0x4], $0x2000, s22, s21, $0x38;
	[tilespmem:$0x8800] =	vst v63  }
0x5a: {  	_ = 	snop  }
0x5b: {  	[hbm4b:s11+s21] =	stream.strided.scatter [tilespmem:s22], [sflag:$0x4], $0x2000, s22, s21, $0x38;
	[tilespmem:$0x8800] =	vst v63  }
0x5c: {  	_ =	swait.ge [sflag:s25], $0x2000  }
0x5d: {  	[sflag:s25] =	ssyncset.done $0x0  }
0x5e: {  	[sflag:s25] =	ssyncadd.s32 $0xFFFFE000  }
0x5f: {  	_ =	swait.ge [sflag:s25], $0x2000  }
0x60: {  	[sflag:s25] =	ssyncset.done $0x0  }
0x61: {  	s0 =	simm.s32 $0x600;
	[sflag:s25] =	ssyncadd.s32 $0xFFFFE000  }
0x62: {  	[tilespmem:s18], [sflag:$0x1] =	stream.indirect.gather [hbm4b:s2+s17], $0x80, s0, s17, $0xb8;
	[tilespmem:$0x8800] =	vst v63  }
0x63: {  	_ =	swait.ge [sflag:s26], $0x2000  }
0x64: {  	[sflag:s26] =	ssyncset.done $0x0  }
0x65: {  	[sflag:s26] =	ssyncadd.s32 $0xFFFFE000  }
0x66: {  	_ =	swait.ge [sflag:s26], $0x2000  }
0x67: {  	[sflag:s26] =	ssyncset.done $0x0  }
0x68: {  	[sflag:s26] =	ssyncadd.s32 $0xFFFFE000  }
0x69: {  	_ =	swait.ge [sflag:s20], $0x4000  }
0x6a: {  	[sflag:s20] =	ssyncset.done $0x0  }
0x6b: {  	[sflag:s20] =	ssyncadd.s32 $0xFFFFC000  }
0x6c: {  	[hbm4b:s6+s21] =	stream.strided.scatter [tilespmem:s18], [sflag:$0x3], $0x2000, s22, s21, $0x38;
	[tilespmem:$0x8800] =	vst v63  }
0x6d: {  	s29 =	sadd.s32 $0x1, s29  }
0x6e: {  	[hbm4b:s7+s21] =	stream.strided.scatter [tilespmem:s23], [sflag:$0x3], $0x2000, s22, s21, $0x38;
	[tilespmem:$0x8800] =	vst v63  }
0x6f: {  	p0 =	sne.s32 s29, s5;
	_ =	swait.ge [sflag:s25], $0x2000  }
.Ltmp1:
0x70: {  	[sflag:s25] =	ssyncset.done $0x0;
	(pc) =	sbr.rel @p0 .LBB2_1-.Ltmp1, $4  }
0x71: {  	[sflag:s25] =	ssyncadd.s32 $0xFFFFE000  }
0x72: {  	_ =	swait.ge [sflag:s25], $0x2000  }
0x73: {  	[sflag:s25] =	ssyncset.done $0x0  }
0x74: {  	[sflag:s25] =	ssyncadd.s32 $0xFFFFE000  }
0x75: {  	_ =	sfence.sel $0x180000  }
0x76: {  	[bflag:$0x0] =	sbarrier.arrive $0xFFFF  }
0x77: {  	_ =	strace $0x90000047  }
0x78: {  	s0 =	stileid.u32;
	[bflag:$0x2] =	sbarrier.arrive $0xFFFF  }
0x79: {  	p0 =	sne.s32 s0, $0x0;
	s0 =	rddreg [dreg:$0x2]  }
0x7a: {  	s0 =	sadd.s32 @!p0 $0x100000, s0  }
0x7b: {  	[sflag:s0] =	ssyncadd.tile.s32 @!p0 $0x1;
	_ =	shalt  }
.Lfunc_end2:
_tile_overlayer_lowered:
.L_overlay_start_2:
0x7c: {  	(tag) =	ssettag $0x2  }
0x7d: {  	s0 =	rddreg [dreg:$0x0];
	s2 =	stileid.u32  }
0x7e: {  	s1 =	rddreg [dreg:$0x1];
	p0 =	sne.s32 s2, $0x0  }
0x7f: {  	s3 =	rddreg [dreg:$0x2];
	[bflag:$0x3] =	sbarrier.arrive $0xFFFF;
	s2 =	simm.s32 @!p0 $0x1C05  }
0x80: {  	[timem:s3], [sflag:s2] =	dma.local @!p0 [hbm:s0], s1  }
0x81: {  	s0 =	simm.s32 @!p0 $0x5  }
0x82: {  	_ =	swait.ge @!p0 [sflag:s0], s1  }
0x83: {  	s1 =	ssub.s32 @!p0 $0x0, s1;
	[sflag:s0] =	ssyncset.done @!p0 $0x0  }
0x84: {  	[sflag:s0] =	ssyncadd.s32 @!p0 s1  }
0x85: {  	[bflag:$0x3] =	sbarrier.arrive $0xFFFF  }
0x86: {  	_ =	shalt  }

</sc_bundles>
